<compile_context>
chip_gen: v7x
topology: tpu7x:2x2x1
jax: 0.10.2.dev20260603
libtpu: 0.0.44.dev20260713+nightly
codegen_flags: <defaults>
</compile_context>

<pallas_src>
import jax
import jax.numpy as jnp
from jax import lax
from jax.experimental import pallas as pl
from jax.experimental.pallas import tpu as pltpu
from jax.experimental.pallas import tpu_sc as plsc

N_ROWS = 9216
D = 64
K = 8192

BM = 1024
GM = N_ROWS // BM
_NBK = 2048
_SB = 128


def _argmax_body(x_ref, cbt_ref, idx_ref, cbn_ref):
    m = pl.program_id(0)

    @pl.when(m == 0)
    def _():
        cbt = cbt_ref[...]
        cbn_ref[...] = cbt / jnp.maximum(
            jnp.sqrt(jnp.sum(cbt * cbt, axis=0, keepdims=True)), 1e-12)

    x = x_ref[...]
    xn = x / jnp.maximum(jnp.sqrt(jnp.sum(x * x, axis=1, keepdims=True)), 1e-12)
    best_v = jnp.full((BM, _SB), -jnp.inf, jnp.float32)
    best_b = jnp.zeros((BM, _SB), jnp.float32)
    for c in range(K // _NBK):
        cbn_c = cbn_ref[:, pl.ds(c * _NBK, _NBK)]
        s = lax.dot_general(xn, cbn_c, (((1,), (0,)), ((), ())),
                            preferred_element_type=jnp.float32,
                            precision=lax.Precision.DEFAULT)
        for j in range(_NBK // _SB):
            blk = s[:, j * _SB:(j + 1) * _SB]
            b_id = jnp.float32(c * (_NBK // _SB) + j)
            gt = blk > best_v
            best_v = jnp.maximum(blk, best_v)
            best_b = jnp.where(gt, b_id, best_b)
    tmax = jnp.max(best_v, axis=1, keepdims=True)
    lane = lax.broadcasted_iota(jnp.int32, (BM, _SB), 1).astype(jnp.float32)
    colf = best_b * _SB + lane
    first = jnp.min(jnp.where(best_v == tmax, colf, jnp.float32(K)),
                    axis=1, keepdims=True)
    idx_ref[...] = first.astype(jnp.int32).reshape(BM // 128, 128)


def _nearest_indices(x_flat, codebook_t):
    return pl.pallas_call(
        _argmax_body,
        grid=(GM,),
        in_specs=[pl.BlockSpec((BM, D), lambda m: (m, 0)),
                  pl.BlockSpec((D, K), lambda m: (0, 0))],
        out_specs=pl.BlockSpec((BM // 128, 128), lambda m: (m, 0)),
        out_shape=jax.ShapeDtypeStruct((N_ROWS // 128, 128), jnp.int32),
        scratch_shapes=[pltpu.VMEM((D, K), jnp.float32)],
    )(x_flat, codebook_t)


_NC = 2
_NS = 16
_NW = _NC * _NS
_RPW = N_ROWS // _NW
_CH = 3
_RPC = _RPW // _CH
_KPW = K // _NS
_CL = 16

def _sc_body(cb_hbm, idx_hbm, zq_hbm, cnt_hbm,
             idx_v, rows_v, ones_v, cnt_v, shared, sem):
    c = lax.axis_index("c")
    s = lax.axis_index("s")
    wid = s * _NC + c
    pltpu.sync_copy(idx_hbm.at[wid], idx_v)

    def _fill(i, _):
        ones_v[i, :] = jnp.full((_CL,), 1.0, jnp.float32)
        return 0

    def _zero(i, _):
        cnt_v[i, :] = jnp.zeros((_CL,), jnp.float32)
        return 0

    lax.fori_loop(0, _RPC, _fill, 0)
    lax.fori_loop(0, _KPW, _zero, 0)
    pltpu.sync_copy(cnt_v, shared.at[pl.ds(s * _KPW, _KPW)])
    for j in range(_CH):
        pltpu.async_copy(cb_hbm.at[idx_v.at[j]],
                         rows_v.at[pl.ds(j * _RPC, _RPC)], sem).wait()
    pltpu.sync_copy(rows_v, zq_hbm.at[pl.ds(wid * _RPW, _RPW)])
    plsc.subcore_barrier()
    for j in range(_CH):
        pltpu.sync_copy(ones_v, shared.at[idx_v.at[j]], add=True)
    plsc.subcore_barrier()
    pltpu.sync_copy(shared.at[pl.ds(s * _KPW, _KPW)], cnt_v)
    pltpu.sync_copy(cnt_v, cnt_hbm.at[c, pl.ds(s * _KPW, _KPW)])


def _sc_gather_count(codebook, idx3):
    run = pl.kernel(
        _sc_body,
        out_type=[jax.ShapeDtypeStruct((N_ROWS, D), jnp.float32),
                  jax.ShapeDtypeStruct((_NC, K, _CL), jnp.float32)],
        mesh=plsc.VectorSubcoreMesh(core_axis_name="c", subcore_axis_name="s"),
        scratch_types=[pltpu.VMEM((_CH, _RPC), jnp.int32),
                       pltpu.VMEM((_RPW, D), jnp.float32),
                       pltpu.VMEM((_RPC, _CL), jnp.float32),
                       pltpu.VMEM((_KPW, _CL), jnp.float32),
                       pltpu.VMEM_SHARED((K, _CL), jnp.float32),
                       pltpu.SemaphoreType.DMA],
        compiler_params=pltpu.CompilerParams(use_tc_tiling_on_sc=False),
    )
    return run(codebook, idx3)


def _scalars_body(x_ref, zq_ref, cnt_ref, zq_out_ref, loss_ref, perp_ref,
                  util_ref):
    x = x_ref[...]
    zq = zq_ref[...]
    zq_out_ref[...] = jnp.transpose(zq.reshape(16, N_ROWS // 16, D), (0, 2, 1))
    d2 = (x - zq) ** 2
    loss_ref[...] = (jnp.sum(d2) / (N_ROWS * D))[None, None]
    cnt = cnt_ref[0:K // 8, :] + cnt_ref[K // 8:, :]
    p = cnt / N_ROWS
    ent = jnp.sum(p * jnp.log(p + 1e-10)) / _CL
    perp_ref[...] = jnp.exp(-ent)[None, None]
    util_ref[...] = (jnp.sum((cnt > 0).astype(jnp.float32)) / (_CL * K))[None, None]


def _scalars(x_flat, zq_flat, cnt2):
    return pl.pallas_call(
        _scalars_body,
        out_shape=[jax.ShapeDtypeStruct((16, D, N_ROWS // 16), jnp.float32),
                   jax.ShapeDtypeStruct((1, 1), jnp.float32),
                   jax.ShapeDtypeStruct((1, 1), jnp.float32),
                   jax.ShapeDtypeStruct((1, 1), jnp.float32)],
    )(x_flat, zq_flat, cnt2)


def kernel(x, codebook):
    shape = x.shape
    x_flat = x.reshape(-1, D)
    idx2d = _nearest_indices(x_flat, codebook.T)
    idx3 = idx2d.reshape(_NW, _CH, _RPC)
    zq_flat, counts = _sc_gather_count(codebook, idx3)
    cnt2 = counts.reshape(_NC * K * _CL // 128, 128)
    zq_t, loss, perp, util = _scalars(x_flat, zq_flat, cnt2)
    zq_out = jnp.transpose(zq_t, (0, 2, 1))
    del shape
    return (zq_out, idx2d.reshape(x.shape[:-1]),
            loss.reshape(()), perp.reshape(()), util.reshape(()))

# --- scband reference (transcript-rebuilt; emitter-appended) ---
"""Pipeline reference for scband-emacodebook-38774964748792 (READ-ONLY COPY).

The authoritative reference and input builder live on the scoring server;
editing this copy changes nothing except your own understanding.
"""

import jax, jax.numpy as jnp
import numpy as np

VOCAB = 8192
DMODEL = 64

def _l2norm(v):
    return v / jnp.maximum(jnp.linalg.norm(v, axis=-1, keepdims=True), 1e-12)

def setup_inputs(seed: int = 0) -> dict:
    key = jax.random.key(seed)
    k1, k2 = jax.random.split(key)
    x = jax.random.normal(k1, (16, 576, DMODEL), dtype=jnp.float32)
    # buffer initialized as F.normalize(randn(K, D)) in __init__; assume initialized=True (post first batch)
    codebook = _l2norm(jax.random.normal(k2, (VOCAB, DMODEL), dtype=jnp.float32))
    return {"x": x, "codebook": codebook}

def reference(x, codebook):
    shape = x.shape
    d = codebook.shape[1]
    x_flat = x.reshape(-1, d)
    x_norm = _l2norm(x_flat)
    cb_norm = _l2norm(codebook)
    dists = -(x_norm @ cb_norm.T)
    indices = jnp.argmin(dists, axis=-1)
    z_q_flat = jnp.take(codebook, indices, axis=0)
    # straight-through estimator
    z_q_flat = x_flat + jax.lax.stop_gradient(z_q_flat - x_flat)
    commit_loss = jnp.mean((x_flat - jax.lax.stop_gradient(z_q_flat)) ** 2)
    # metrics (equivalent to one_hot.mean(0)/sum(0) but via bincount)
    counts = jnp.bincount(indices, length=codebook.shape[0]).astype(jnp.float32)
    avg_prob = counts / x_flat.shape[0]
    perplexity = jnp.exp(-jnp.sum(avg_prob * jnp.log(avg_prob + 1e-10)))
    utilization = (counts > 0).astype(jnp.float32).mean()
    return (z_q_flat.reshape(shape), indices.reshape(shape[:-1]), commit_loss, perplexity, utilization)

if __name__ == "__main__":
    import jax
    _d = setup_inputs()
    print(jax.jit(kernel)(*tuple(_d.values())))

</pallas_src>

<mosaic_0001>
#map = affine_map<(d0, d1) -> (0, 0)>
#map1 = affine_map<(d0, d1) -> (0, 0, 0)>
module attributes {stable_mosaic.version = 14 : i64} {
  func.func @_sc_body(%arg0: i32, %arg1: i32, %arg2: memref<8192x64xf32, #tpu.memory_space<hbm>>, %arg3: memref<32x3x96xi32, #tpu.memory_space<hbm>>, %arg4: memref<9216x64xf32, #tpu.memory_space<hbm>>, %arg5: memref<2x8192x16xf32, #tpu.memory_space<hbm>>, %arg6: memref<3x96xi32, #tpu.memory_space<vmem>>, %arg7: memref<288x64xf32, #tpu.memory_space<vmem>>, %arg8: memref<96x16xf32, #tpu.memory_space<vmem>>, %arg9: memref<512x16xf32, #tpu.memory_space<vmem>>, %arg10: memref<8192x16xf32, #tpu.memory_space<vmem_shared>>, %arg11: memref<!tpu.dma_semaphore, #tpu.memory_space<semaphore_mem>>) attributes {dimension_semantics = [#tpu.dimension_semantics<core_parallel>, #tpu.dimension_semantics<subcore_parallel>], iteration_bounds = array<i64: 2, 16>, scalar_prefetch = 0 : i64, scratch_operands = 6 : i64, tpu.core_type = #tpu.core_type<sc_vector_subcore>, window_params = [{transform_indices = #map}, {transform_indices = #map1}, {transform_indices = #map}, {transform_indices = #map1}]} {
    %mul3A = arith.constant 2 : i32
    %mul3A_0 = arith.muli %arg1, %mul3A : i32
    %add3A = arith.addi %mul3A_0, %arg0 : i32
    "tpu.region"() ({
      %run_scoped3A_83 = tpu.sem_alloc : memref<!tpu.dma_semaphore, #tpu.memory_space<semaphore_mem>>
      %dma_start3A_84 = arith.constant 0 : i32
      %dma_start3A_85 = arith.constant 0 : i32
      %dma_start3A_86 = tpu.memref_slice %arg3[%add3A, %dma_start3A_84, %dma_start3A_85] : memref<32x3x96xi32, #tpu.memory_space<hbm>> -> memref<1x3x96xi32, #tpu.memory_space<hbm>>
      %dma_start3A_87 = tpu.memref_squeeze %dma_start3A_86 : memref<1x3x96xi32, #tpu.memory_space<hbm>> -> memref<3x96xi32, #tpu.memory_space<hbm>>
      %dma_start3A_88 = arith.constant 0 : i32
      %dma_start3A_89 = arith.constant 0 : i32
      %dma_start3A_90 = tpu.memref_slice %arg3[%add3A, %dma_start3A_88, %dma_start3A_89] : memref<32x3x96xi32, #tpu.memory_space<hbm>> -> memref<1x3x96xi32, #tpu.memory_space<hbm>>
      %dma_start3A_91 = tpu.memref_squeeze %dma_start3A_90 : memref<1x3x96xi32, #tpu.memory_space<hbm>> -> memref<3x96xi32, #tpu.memory_space<hbm>>
      tpu.enqueue_dma source(%dma_start3A_91 : memref<3x96xi32, #tpu.memory_space<hbm>>) target(%arg6 : memref<3x96xi32, #tpu.memory_space<vmem>>) target_semaphore(%run_scoped3A_83 : memref<!tpu.dma_semaphore, #tpu.memory_space<semaphore_mem>>)
      %dma_wait3A_92 = arith.constant 0 : i32
      %dma_wait3A_93 = arith.constant 0 : i32
      %dma_wait3A_94 = tpu.memref_slice %arg3[%add3A, %dma_wait3A_92, %dma_wait3A_93] : memref<32x3x96xi32, #tpu.memory_space<hbm>> -> memref<1x3x96xi32, #tpu.memory_space<hbm>>
      %dma_wait3A_95 = tpu.memref_squeeze %dma_wait3A_94 : memref<1x3x96xi32, #tpu.memory_space<hbm>> -> memref<3x96xi32, #tpu.memory_space<hbm>>
      %dma_wait3A_96 = arith.constant 0 : i32
      %dma_wait3A_97 = arith.constant 0 : i32
      %dma_wait3A_98 = tpu.memref_slice %arg3[%add3A, %dma_wait3A_96, %dma_wait3A_97] : memref<32x3x96xi32, #tpu.memory_space<hbm>> -> memref<1x3x96xi32, #tpu.memory_space<hbm>>
      %dma_wait3A_99 = tpu.memref_squeeze %dma_wait3A_98 : memref<1x3x96xi32, #tpu.memory_space<hbm>> -> memref<3x96xi32, #tpu.memory_space<hbm>>
      tpu.wait_dma2 semaphore(%run_scoped3A_83 : memref<!tpu.dma_semaphore, #tpu.memory_space<semaphore_mem>>) src(%dma_wait3A_99 : memref<3x96xi32, #tpu.memory_space<hbm>>) dst(%arg6 : memref<3x96xi32, #tpu.memory_space<vmem>>)
      tpu.yield
    }) : () -> ()
    %scan3A = arith.constant 0 : i32
    %scan3A_1 = arith.constant 0 : i32
    %scan3A_2 = arith.constant 96 : i32
    %scan3A_3 = arith.addi %scan3A_1, %scan3A_2 : i32
    %scan3A_4 = arith.constant 1 : i32
    %scan3A_5 = scf.for %scan3A_83 = %scan3A_1 to %scan3A_3 step %scan3A_4 iter_args(%scan3A_84 = %scan3A) -> (i32)  : i32 {
      %broadcast_in_dim3A = arith.constant 1.000000e+00 : f32
      %broadcast_in_dim3A_85 = vector.broadcast %broadcast_in_dim3A : f32 to vector<16xf32>
      %swap3A = arith.index_cast %scan3A_83 : i32 to index
      %swap3A_86 = arith.constant 0 : index
      %swap3A_87 = tpu.vector_load %arg8[%swap3A, %swap3A_86] {strides = array<i32>} : memref<96x16xf32, #tpu.memory_space<vmem>>, vector<1x16xf32>,
      %swap3A_88 = vector.shape_cast %swap3A_87 : vector<1x16xf32> to vector<16xf32>
      %swap3A_89 = vector.shape_cast %broadcast_in_dim3A_85 : vector<16xf32> to vector<1x16xf32>
      tpu.vector_store %arg8[%swap3A, %swap3A_86], %swap3A_89 {strides = array<i32>} : memref<96x16xf32, #tpu.memory_space<vmem>>, vector<1x16xf32>,
      %scan3A_90 = arith.constant 0 : i32
      scf.yield %scan3A_90 : i32
    }
    %scan3A_6 = arith.constant 96 : i32
    %scan3A_7 = arith.constant 0 : i32
    %scan3A_8 = arith.constant 0 : i32
    %scan3A_9 = arith.constant 512 : i32
    %scan3A_10 = arith.addi %scan3A_8, %scan3A_9 : i32
    %scan3A_11 = arith.constant 1 : i32
    %scan3A_12 = scf.for %scan3A_83 = %scan3A_8 to %scan3A_10 step %scan3A_11 iter_args(%scan3A_84 = %scan3A_7) -> (i32)  : i32 {
      %broadcast_in_dim3A = arith.constant 0.000000e+00 : f32
      %broadcast_in_dim3A_85 = vector.broadcast %broadcast_in_dim3A : f32 to vector<16xf32>
      %swap3A = arith.index_cast %scan3A_83 : i32 to index
      %swap3A_86 = arith.constant 0 : index
      %swap3A_87 = tpu.vector_load %arg9[%swap3A, %swap3A_86] {strides = array<i32>} : memref<512x16xf32, #tpu.memory_space<vmem>>, vector<1x16xf32>,
      %swap3A_88 = vector.shape_cast %swap3A_87 : vector<1x16xf32> to vector<16xf32>
      %swap3A_89 = vector.shape_cast %broadcast_in_dim3A_85 : vector<16xf32> to vector<1x16xf32>
      tpu.vector_store %arg9[%swap3A, %swap3A_86], %swap3A_89 {strides = array<i32>} : memref<512x16xf32, #tpu.memory_space<vmem>>, vector<1x16xf32>,
      %scan3A_90 = arith.constant 0 : i32
      scf.yield %scan3A_90 : i32
    }
    %scan3A_13 = arith.constant 512 : i32
    %mul3A_14 = arith.constant 512 : i32
    %mul3A_15 = arith.muli %arg1, %mul3A_14 : i32
    "tpu.region"() ({
      %run_scoped3A_83 = tpu.sem_alloc : memref<!tpu.dma_semaphore, #tpu.memory_space<semaphore_mem>>
      %dma_start3A_84 = arith.constant 0 : i32
      %dma_start3A_85 = tpu.memref_slice %arg10[%mul3A_15, %dma_start3A_84] : memref<8192x16xf32, #tpu.memory_space<vmem_shared>> -> memref<512x16xf32, #tpu.memory_space<vmem_shared>>
      %dma_start3A_86 = arith.constant 0 : i32
      %dma_start3A_87 = tpu.memref_slice %arg10[%mul3A_15, %dma_start3A_86] : memref<8192x16xf32, #tpu.memory_space<vmem_shared>> -> memref<512x16xf32, #tpu.memory_space<vmem_shared>>
      tpu.enqueue_dma source(%arg9 : memref<512x16xf32, #tpu.memory_space<vmem>>) target(%dma_start3A_87 : memref<512x16xf32, #tpu.memory_space<vmem_shared>>) target_semaphore(%run_scoped3A_83 : memref<!tpu.dma_semaphore, #tpu.memory_space<semaphore_mem>>)
      %dma_wait3A_88 = arith.constant 0 : i32
      %dma_wait3A_89 = tpu.memref_slice %arg10[%mul3A_15, %dma_wait3A_88] : memref<8192x16xf32, #tpu.memory_space<vmem_shared>> -> memref<512x16xf32, #tpu.memory_space<vmem_shared>>
      %dma_wait3A_90 = arith.constant 0 : i32
      %dma_wait3A_91 = tpu.memref_slice %arg10[%mul3A_15, %dma_wait3A_90] : memref<8192x16xf32, #tpu.memory_space<vmem_shared>> -> memref<512x16xf32, #tpu.memory_space<vmem_shared>>
      tpu.wait_dma2 semaphore(%run_scoped3A_83 : memref<!tpu.dma_semaphore, #tpu.memory_space<semaphore_mem>>) src(%arg9 : memref<512x16xf32, #tpu.memory_space<vmem>>) dst(%dma_wait3A_91 : memref<512x16xf32, #tpu.memory_space<vmem_shared>>)
      tpu.yield
    }) : () -> ()
    %dma_start3A = arith.constant 0 : i32
    %dma_start3A_16 = arith.constant 0 : i32
    %dma_start3A_17 = arith.constant 0 : i32
    %dma_start3A_18 = tpu.memref_slice %arg7[%dma_start3A_16, %dma_start3A_17] : memref<288x64xf32, #tpu.memory_space<vmem>> -> memref<96x64xf32, #tpu.memory_space<vmem>>
    %dma_start3A_19 = arith.constant 0 : i32
    %dma_start3A_20 = tpu.memref_slice %arg6[%dma_start3A, %dma_start3A_19] : memref<3x96xi32, #tpu.memory_space<vmem>> -> memref<1x96xi32, #tpu.memory_space<vmem>>
    %dma_start3A_21 = tpu.memref_squeeze %dma_start3A_20 : memref<1x96xi32, #tpu.memory_space<vmem>> -> memref<96xi32, #tpu.memory_space<vmem>>
    %dma_start3A_22 = arith.constant 0 : i32
    %dma_start3A_23 = arith.constant 0 : i32
    %dma_start3A_24 = tpu.memref_slice %arg2[%dma_start3A_22, %dma_start3A_23] : memref<8192x64xf32, #tpu.memory_space<hbm>> -> memref<8192x64xf32, #tpu.memory_space<hbm>>
    tpu.enqueue_indirect_dma source(%dma_start3A_24 : memref<8192x64xf32, #tpu.memory_space<hbm>>) target(%dma_start3A_18 : memref<96x64xf32, #tpu.memory_space<vmem>>) offsets(%dma_start3A_21 : memref<96xi32, #tpu.memory_space<vmem>>) semaphore(%arg11 : memref<!tpu.dma_semaphore, #tpu.memory_space<semaphore_mem>>)
    %dma_wait3A = arith.constant 0 : i32
    %dma_wait3A_25 = arith.constant 0 : i32
    %dma_wait3A_26 = arith.constant 0 : i32
    %dma_wait3A_27 = tpu.memref_slice %arg7[%dma_wait3A_25, %dma_wait3A_26] : memref<288x64xf32, #tpu.memory_space<vmem>> -> memref<96x64xf32, #tpu.memory_space<vmem>>
    %dma_wait3A_28 = arith.constant 0 : i32
    %dma_wait3A_29 = tpu.memref_slice %arg6[%dma_wait3A, %dma_wait3A_28] : memref<3x96xi32, #tpu.memory_space<vmem>> -> memref<1x96xi32, #tpu.memory_space<vmem>>
    %dma_wait3A_30 = tpu.memref_squeeze %dma_wait3A_29 : memref<1x96xi32, #tpu.memory_space<vmem>> -> memref<96xi32, #tpu.memory_space<vmem>>
    %dma_wait3A_31 = arith.constant 0 : i32
    %dma_wait3A_32 = arith.constant 0 : i32
    %dma_wait3A_33 = tpu.memref_slice %arg2[%dma_wait3A_31, %dma_wait3A_32] : memref<8192x64xf32, #tpu.memory_space<hbm>> -> memref<8192x64xf32, #tpu.memory_space<hbm>>
    tpu.wait_indirect_dma semaphore(%arg11 : memref<!tpu.dma_semaphore, #tpu.memory_space<semaphore_mem>>) src(%dma_wait3A_33 : memref<8192x64xf32, #tpu.memory_space<hbm>>) dst(%dma_wait3A_27 : memref<96x64xf32, #tpu.memory_space<vmem>>)
    %dma_start3A_34 = arith.constant 1 : i32
    %dma_start3A_35 = arith.constant 96 : i32
    %dma_start3A_36 = arith.constant 0 : i32
    %dma_start3A_37 = tpu.memref_slice %arg7[%dma_start3A_35, %dma_start3A_36] : memref<288x64xf32, #tpu.memory_space<vmem>> -> memref<96x64xf32, #tpu.memory_space<vmem>>
    %dma_start3A_38 = arith.constant 0 : i32
    %dma_start3A_39 = tpu.memref_slice %arg6[%dma_start3A_34, %dma_start3A_38] : memref<3x96xi32, #tpu.memory_space<vmem>> -> memref<1x96xi32, #tpu.memory_space<vmem>>
    %dma_start3A_40 = tpu.memref_squeeze %dma_start3A_39 : memref<1x96xi32, #tpu.memory_space<vmem>> -> memref<96xi32, #tpu.memory_space<vmem>>
    %dma_start3A_41 = arith.constant 0 : i32
    %dma_start3A_42 = arith.constant 0 : i32
    %dma_start3A_43 = tpu.memref_slice %arg2[%dma_start3A_41, %dma_start3A_42] : memref<8192x64xf32, #tpu.memory_space<hbm>> -> memref<8192x64xf32, #tpu.memory_space<hbm>>
    tpu.enqueue_indirect_dma source(%dma_start3A_43 : memref<8192x64xf32, #tpu.memory_space<hbm>>) target(%dma_start3A_37 : memref<96x64xf32, #tpu.memory_space<vmem>>) offsets(%dma_start3A_40 : memref<96xi32, #tpu.memory_space<vmem>>) semaphore(%arg11 : memref<!tpu.dma_semaphore, #tpu.memory_space<semaphore_mem>>)
    %dma_wait3A_44 = arith.constant 1 : i32
    %dma_wait3A_45 = arith.constant 96 : i32
    %dma_wait3A_46 = arith.constant 0 : i32
    %dma_wait3A_47 = tpu.memref_slice %arg7[%dma_wait3A_45, %dma_wait3A_46] : memref<288x64xf32, #tpu.memory_space<vmem>> -> memref<96x64xf32, #tpu.memory_space<vmem>>
    %dma_wait3A_48 = arith.constant 0 : i32
    %dma_wait3A_49 = tpu.memref_slice %arg6[%dma_wait3A_44, %dma_wait3A_48] : memref<3x96xi32, #tpu.memory_space<vmem>> -> memref<1x96xi32, #tpu.memory_space<vmem>>
    %dma_wait3A_50 = tpu.memref_squeeze %dma_wait3A_49 : memref<1x96xi32, #tpu.memory_space<vmem>> -> memref<96xi32, #tpu.memory_space<vmem>>
    %dma_wait3A_51 = arith.constant 0 : i32
    %dma_wait3A_52 = arith.constant 0 : i32
    %dma_wait3A_53 = tpu.memref_slice %arg2[%dma_wait3A_51, %dma_wait3A_52] : memref<8192x64xf32, #tpu.memory_space<hbm>> -> memref<8192x64xf32, #tpu.memory_space<hbm>>
    tpu.wait_indirect_dma semaphore(%arg11 : memref<!tpu.dma_semaphore, #tpu.memory_space<semaphore_mem>>) src(%dma_wait3A_53 : memref<8192x64xf32, #tpu.memory_space<hbm>>) dst(%dma_wait3A_47 : memref<96x64xf32, #tpu.memory_space<vmem>>)
    %dma_start3A_54 = arith.constant 2 : i32
    %dma_start3A_55 = arith.constant 192 : i32
    %dma_start3A_56 = arith.constant 0 : i32
    %dma_start3A_57 = tpu.memref_slice %arg7[%dma_start3A_55, %dma_start3A_56] : memref<288x64xf32, #tpu.memory_space<vmem>> -> memref<96x64xf32, #tpu.memory_space<vmem>>
    %dma_start3A_58 = arith.constant 0 : i32
    %dma_start3A_59 = tpu.memref_slice %arg6[%dma_start3A_54, %dma_start3A_58] : memref<3x96xi32, #tpu.memory_space<vmem>> -> memref<1x96xi32, #tpu.memory_space<vmem>>
    %dma_start3A_60 = tpu.memref_squeeze %dma_start3A_59 : memref<1x96xi32, #tpu.memory_space<vmem>> -> memref<96xi32, #tpu.memory_space<vmem>>
    %dma_start3A_61 = arith.constant 0 : i32
    %dma_start3A_62 = arith.constant 0 : i32
    %dma_start3A_63 = tpu.memref_slice %arg2[%dma_start3A_61, %dma_start3A_62] : memref<8192x64xf32, #tpu.memory_space<hbm>> -> memref<8192x64xf32, #tpu.memory_space<hbm>>
    tpu.enqueue_indirect_dma source(%dma_start3A_63 : memref<8192x64xf32, #tpu.memory_space<hbm>>) target(%dma_start3A_57 : memref<96x64xf32, #tpu.memory_space<vmem>>) offsets(%dma_start3A_60 : memref<96xi32, #tpu.memory_space<vmem>>) semaphore(%arg11 : memref<!tpu.dma_semaphore, #tpu.memory_space<semaphore_mem>>)
    %dma_wait3A_64 = arith.constant 2 : i32
    %dma_wait3A_65 = arith.constant 192 : i32
    %dma_wait3A_66 = arith.constant 0 : i32
    %dma_wait3A_67 = tpu.memref_slice %arg7[%dma_wait3A_65, %dma_wait3A_66] : memref<288x64xf32, #tpu.memory_space<vmem>> -> memref<96x64xf32, #tpu.memory_space<vmem>>
    %dma_wait3A_68 = arith.constant 0 : i32
    %dma_wait3A_69 = tpu.memref_slice %arg6[%dma_wait3A_64, %dma_wait3A_68] : memref<3x96xi32, #tpu.memory_space<vmem>> -> memref<1x96xi32, #tpu.memory_space<vmem>>
    %dma_wait3A_70 = tpu.memref_squeeze %dma_wait3A_69 : memref<1x96xi32, #tpu.memory_space<vmem>> -> memref<96xi32, #tpu.memory_space<vmem>>
    %dma_wait3A_71 = arith.constant 0 : i32
    %dma_wait3A_72 = arith.constant 0 : i32
    %dma_wait3A_73 = tpu.memref_slice %arg2[%dma_wait3A_71, %dma_wait3A_72] : memref<8192x64xf32, #tpu.memory_space<hbm>> -> memref<8192x64xf32, #tpu.memory_space<hbm>>
    tpu.wait_indirect_dma semaphore(%arg11 : memref<!tpu.dma_semaphore, #tpu.memory_space<semaphore_mem>>) src(%dma_wait3A_73 : memref<8192x64xf32, #tpu.memory_space<hbm>>) dst(%dma_wait3A_67 : memref<96x64xf32, #tpu.memory_space<vmem>>)
    %mul3A_74 = arith.constant 288 : i32
    %mul3A_75 = arith.muli %add3A, %mul3A_74 : i32
    "tpu.region"() ({
      %run_scoped3A_83 = tpu.sem_alloc : memref<!tpu.dma_semaphore, #tpu.memory_space<semaphore_mem>>
      %dma_start3A_84 = arith.constant 0 : i32
      %dma_start3A_85 = tpu.memref_slice %arg4[%mul3A_75, %dma_start3A_84] : memref<9216x64xf32, #tpu.memory_space<hbm>> -> memref<288x64xf32, #tpu.memory_space<hbm>>
      %dma_start3A_86 = arith.constant 0 : i32
      %dma_start3A_87 = tpu.memref_slice %arg4[%mul3A_75, %dma_start3A_86] : memref<9216x64xf32, #tpu.memory_space<hbm>> -> memref<288x64xf32, #tpu.memory_space<hbm>>
      tpu.enqueue_dma source(%arg7 : memref<288x64xf32, #tpu.memory_space<vmem>>) target(%dma_start3A_87 : memref<288x64xf32, #tpu.memory_space<hbm>>) target_semaphore(%run_scoped3A_83 : memref<!tpu.dma_semaphore, #tpu.memory_space<semaphore_mem>>)
      %dma_wait3A_88 = arith.constant 0 : i32
      %dma_wait3A_89 = tpu.memref_slice %arg4[%mul3A_75, %dma_wait3A_88] : memref<9216x64xf32, #tpu.memory_space<hbm>> -> memref<288x64xf32, #tpu.memory_space<hbm>>
      %dma_wait3A_90 = arith.constant 0 : i32
      %dma_wait3A_91 = tpu.memref_slice %arg4[%mul3A_75, %dma_wait3A_90] : memref<9216x64xf32, #tpu.memory_space<hbm>> -> memref<288x64xf32, #tpu.memory_space<hbm>>
      tpu.wait_dma2 semaphore(%run_scoped3A_83 : memref<!tpu.dma_semaphore, #tpu.memory_space<semaphore_mem>>) src(%arg7 : memref<288x64xf32, #tpu.memory_space<vmem>>) dst(%dma_wait3A_91 : memref<288x64xf32, #tpu.memory_space<hbm>>)
      tpu.yield
    }) : () -> ()
    %barrier3A = arith.constant 0 : index
    tpu.barrier barrier_id(%barrier3A)
    %run_scoped3A = arith.constant 0 : i32
    "tpu.region"() ({
      %run_scoped3A_83 = tpu.sem_alloc : memref<!tpu.dma_semaphore, #tpu.memory_space<semaphore_mem>>
      %dma_start3A_84 = arith.constant 0 : i32
      %dma_start3A_85 = tpu.memref_slice %arg6[%run_scoped3A, %dma_start3A_84] : memref<3x96xi32, #tpu.memory_space<vmem>> -> memref<1x96xi32, #tpu.memory_space<vmem>>
      %dma_start3A_86 = tpu.memref_squeeze %dma_start3A_85 : memref<1x96xi32, #tpu.memory_space<vmem>> -> memref<96xi32, #tpu.memory_space<vmem>>
      %dma_start3A_87 = arith.constant 0 : i32
      %dma_start3A_88 = arith.constant 0 : i32
      %dma_start3A_89 = tpu.memref_slice %arg10[%dma_start3A_87, %dma_start3A_88] : memref<8192x16xf32, #tpu.memory_space<vmem_shared>> -> memref<8192x16xf32, #tpu.memory_space<vmem_shared>>
      tpu.enqueue_indirect_dma source(%arg8 : memref<96x16xf32, #tpu.memory_space<vmem>>) target(%dma_start3A_89 : memref<8192x16xf32, #tpu.memory_space<vmem_shared>>) offsets(%dma_start3A_86 : memref<96xi32, #tpu.memory_space<vmem>>) semaphore(%run_scoped3A_83 : memref<!tpu.dma_semaphore, #tpu.memory_space<semaphore_mem>>) {add = true}
      %dma_wait3A_90 = arith.constant 0 : i32
      %dma_wait3A_91 = tpu.memref_slice %arg6[%run_scoped3A, %dma_wait3A_90] : memref<3x96xi32, #tpu.memory_space<vmem>> -> memref<1x96xi32, #tpu.memory_space<vmem>>
      %dma_wait3A_92 = tpu.memref_squeeze %dma_wait3A_91 : memref<1x96xi32, #tpu.memory_space<vmem>> -> memref<96xi32, #tpu.memory_space<vmem>>
      %dma_wait3A_93 = arith.constant 0 : i32
      %dma_wait3A_94 = arith.constant 0 : i32
      %dma_wait3A_95 = tpu.memref_slice %arg10[%dma_wait3A_93, %dma_wait3A_94] : memref<8192x16xf32, #tpu.memory_space<vmem_shared>> -> memref<8192x16xf32, #tpu.memory_space<vmem_shared>>
      tpu.wait_indirect_dma semaphore(%run_scoped3A_83 : memref<!tpu.dma_semaphore, #tpu.memory_space<semaphore_mem>>) src(%arg8 : memref<96x16xf32, #tpu.memory_space<vmem>>) dst(%dma_wait3A_95 : memref<8192x16xf32, #tpu.memory_space<vmem_shared>>)
      tpu.yield
    }) : () -> ()
    %run_scoped3A_76 = arith.constant 1 : i32
    "tpu.region"() ({
      %run_scoped3A_83 = tpu.sem_alloc : memref<!tpu.dma_semaphore, #tpu.memory_space<semaphore_mem>>
      %dma_start3A_84 = arith.constant 0 : i32
      %dma_start3A_85 = tpu.memref_slice %arg6[%run_scoped3A_76, %dma_start3A_84] : memref<3x96xi32, #tpu.memory_space<vmem>> -> memref<1x96xi32, #tpu.memory_space<vmem>>
      %dma_start3A_86 = tpu.memref_squeeze %dma_start3A_85 : memref<1x96xi32, #tpu.memory_space<vmem>> -> memref<96xi32, #tpu.memory_space<vmem>>
      %dma_start3A_87 = arith.constant 0 : i32
      %dma_start3A_88 = arith.constant 0 : i32
      %dma_start3A_89 = tpu.memref_slice %arg10[%dma_start3A_87, %dma_start3A_88] : memref<8192x16xf32, #tpu.memory_space<vmem_shared>> -> memref<8192x16xf32, #tpu.memory_space<vmem_shared>>
      tpu.enqueue_indirect_dma source(%arg8 : memref<96x16xf32, #tpu.memory_space<vmem>>) target(%dma_start3A_89 : memref<8192x16xf32, #tpu.memory_space<vmem_shared>>) offsets(%dma_start3A_86 : memref<96xi32, #tpu.memory_space<vmem>>) semaphore(%run_scoped3A_83 : memref<!tpu.dma_semaphore, #tpu.memory_space<semaphore_mem>>) {add = true}
      %dma_wait3A_90 = arith.constant 0 : i32
      %dma_wait3A_91 = tpu.memref_slice %arg6[%run_scoped3A_76, %dma_wait3A_90] : memref<3x96xi32, #tpu.memory_space<vmem>> -> memref<1x96xi32, #tpu.memory_space<vmem>>
      %dma_wait3A_92 = tpu.memref_squeeze %dma_wait3A_91 : memref<1x96xi32, #tpu.memory_space<vmem>> -> memref<96xi32, #tpu.memory_space<vmem>>
      %dma_wait3A_93 = arith.constant 0 : i32
      %dma_wait3A_94 = arith.constant 0 : i32
      %dma_wait3A_95 = tpu.memref_slice %arg10[%dma_wait3A_93, %dma_wait3A_94] : memref<8192x16xf32, #tpu.memory_space<vmem_shared>> -> memref<8192x16xf32, #tpu.memory_space<vmem_shared>>
      tpu.wait_indirect_dma semaphore(%run_scoped3A_83 : memref<!tpu.dma_semaphore, #tpu.memory_space<semaphore_mem>>) src(%arg8 : memref<96x16xf32, #tpu.memory_space<vmem>>) dst(%dma_wait3A_95 : memref<8192x16xf32, #tpu.memory_space<vmem_shared>>)
      tpu.yield
    }) : () -> ()
    %run_scoped3A_77 = arith.constant 2 : i32
    "tpu.region"() ({
      %run_scoped3A_83 = tpu.sem_alloc : memref<!tpu.dma_semaphore, #tpu.memory_space<semaphore_mem>>
      %dma_start3A_84 = arith.constant 0 : i32
      %dma_start3A_85 = tpu.memref_slice %arg6[%run_scoped3A_77, %dma_start3A_84] : memref<3x96xi32, #tpu.memory_space<vmem>> -> memref<1x96xi32, #tpu.memory_space<vmem>>
      %dma_start3A_86 = tpu.memref_squeeze %dma_start3A_85 : memref<1x96xi32, #tpu.memory_space<vmem>> -> memref<96xi32, #tpu.memory_space<vmem>>
      %dma_start3A_87 = arith.constant 0 : i32
      %dma_start3A_88 = arith.constant 0 : i32
      %dma_start3A_89 = tpu.memref_slice %arg10[%dma_start3A_87, %dma_start3A_88] : memref<8192x16xf32, #tpu.memory_space<vmem_shared>> -> memref<8192x16xf32, #tpu.memory_space<vmem_shared>>
      tpu.enqueue_indirect_dma source(%arg8 : memref<96x16xf32, #tpu.memory_space<vmem>>) target(%dma_start3A_89 : memref<8192x16xf32, #tpu.memory_space<vmem_shared>>) offsets(%dma_start3A_86 : memref<96xi32, #tpu.memory_space<vmem>>) semaphore(%run_scoped3A_83 : memref<!tpu.dma_semaphore, #tpu.memory_space<semaphore_mem>>) {add = true}
      %dma_wait3A_90 = arith.constant 0 : i32
      %dma_wait3A_91 = tpu.memref_slice %arg6[%run_scoped3A_77, %dma_wait3A_90] : memref<3x96xi32, #tpu.memory_space<vmem>> -> memref<1x96xi32, #tpu.memory_space<vmem>>
      %dma_wait3A_92 = tpu.memref_squeeze %dma_wait3A_91 : memref<1x96xi32, #tpu.memory_space<vmem>> -> memref<96xi32, #tpu.memory_space<vmem>>
      %dma_wait3A_93 = arith.constant 0 : i32
      %dma_wait3A_94 = arith.constant 0 : i32
      %dma_wait3A_95 = tpu.memref_slice %arg10[%dma_wait3A_93, %dma_wait3A_94] : memref<8192x16xf32, #tpu.memory_space<vmem_shared>> -> memref<8192x16xf32, #tpu.memory_space<vmem_shared>>
      tpu.wait_indirect_dma semaphore(%run_scoped3A_83 : memref<!tpu.dma_semaphore, #tpu.memory_space<semaphore_mem>>) src(%arg8 : memref<96x16xf32, #tpu.memory_space<vmem>>) dst(%dma_wait3A_95 : memref<8192x16xf32, #tpu.memory_space<vmem_shared>>)
      tpu.yield
    }) : () -> ()
    %barrier3A_78 = arith.constant 0 : index
    tpu.barrier barrier_id(%barrier3A_78)
    %mul3A_79 = arith.constant 512 : i32
    %mul3A_80 = arith.muli %arg1, %mul3A_79 : i32
    "tpu.region"() ({
      %run_scoped3A_83 = tpu.sem_alloc : memref<!tpu.dma_semaphore, #tpu.memory_space<semaphore_mem>>
      %dma_start3A_84 = arith.constant 0 : i32
      %dma_start3A_85 = tpu.memref_slice %arg10[%mul3A_80, %dma_start3A_84] : memref<8192x16xf32, #tpu.memory_space<vmem_shared>> -> memref<512x16xf32, #tpu.memory_space<vmem_shared>>
      %dma_start3A_86 = arith.constant 0 : i32
      %dma_start3A_87 = tpu.memref_slice %arg10[%mul3A_80, %dma_start3A_86] : memref<8192x16xf32, #tpu.memory_space<vmem_shared>> -> memref<512x16xf32, #tpu.memory_space<vmem_shared>>
      tpu.enqueue_dma source(%dma_start3A_87 : memref<512x16xf32, #tpu.memory_space<vmem_shared>>) target(%arg9 : memref<512x16xf32, #tpu.memory_space<vmem>>) target_semaphore(%run_scoped3A_83 : memref<!tpu.dma_semaphore, #tpu.memory_space<semaphore_mem>>)
      %dma_wait3A_88 = arith.constant 0 : i32
      %dma_wait3A_89 = tpu.memref_slice %arg10[%mul3A_80, %dma_wait3A_88] : memref<8192x16xf32, #tpu.memory_space<vmem_shared>> -> memref<512x16xf32, #tpu.memory_space<vmem_shared>>
      %dma_wait3A_90 = arith.constant 0 : i32
      %dma_wait3A_91 = tpu.memref_slice %arg10[%mul3A_80, %dma_wait3A_90] : memref<8192x16xf32, #tpu.memory_space<vmem_shared>> -> memref<512x16xf32, #tpu.memory_space<vmem_shared>>
      tpu.wait_dma2 semaphore(%run_scoped3A_83 : memref<!tpu.dma_semaphore, #tpu.memory_space<semaphore_mem>>) src(%dma_wait3A_91 : memref<512x16xf32, #tpu.memory_space<vmem_shared>>) dst(%arg9 : memref<512x16xf32, #tpu.memory_space<vmem>>)
      tpu.yield
    }) : () -> ()
    %mul3A_81 = arith.constant 512 : i32
    %mul3A_82 = arith.muli %arg1, %mul3A_81 : i32
    "tpu.region"() ({
      %run_scoped3A_83 = tpu.sem_alloc : memref<!tpu.dma_semaphore, #tpu.memory_space<semaphore_mem>>
      %dma_start3A_84 = arith.constant 0 : i32
      %dma_start3A_85 = tpu.memref_slice %arg5[%arg0, %mul3A_82, %dma_start3A_84] : memref<2x8192x16xf32, #tpu.memory_space<hbm>> -> memref<1x512x16xf32, #tpu.memory_space<hbm>>
      %dma_start3A_86 = tpu.memref_squeeze %dma_start3A_85 : memref<1x512x16xf32, #tpu.memory_space<hbm>> -> memref<512x16xf32, #tpu.memory_space<hbm>>
      %dma_start3A_87 = arith.constant 0 : i32
      %dma_start3A_88 = tpu.memref_slice %arg5[%arg0, %mul3A_82, %dma_start3A_87] : memref<2x8192x16xf32, #tpu.memory_space<hbm>> -> memref<1x512x16xf32, #tpu.memory_space<hbm>>
      %dma_start3A_89 = tpu.memref_squeeze %dma_start3A_88 : memref<1x512x16xf32, #tpu.memory_space<hbm>> -> memref<512x16xf32, #tpu.memory_space<hbm>>
      tpu.enqueue_dma source(%arg9 : memref<512x16xf32, #tpu.memory_space<vmem>>) target(%dma_start3A_89 : memref<512x16xf32, #tpu.memory_space<hbm>>) target_semaphore(%run_scoped3A_83 : memref<!tpu.dma_semaphore, #tpu.memory_space<semaphore_mem>>)
      %dma_wait3A_90 = arith.constant 0 : i32
      %dma_wait3A_91 = tpu.memref_slice %arg5[%arg0, %mul3A_82, %dma_wait3A_90] : memref<2x8192x16xf32, #tpu.memory_space<hbm>> -> memref<1x512x16xf32, #tpu.memory_space<hbm>>
      %dma_wait3A_92 = tpu.memref_squeeze %dma_wait3A_91 : memref<1x512x16xf32, #tpu.memory_space<hbm>> -> memref<512x16xf32, #tpu.memory_space<hbm>>
      %dma_wait3A_93 = arith.constant 0 : i32
      %dma_wait3A_94 = tpu.memref_slice %arg5[%arg0, %mul3A_82, %dma_wait3A_93] : memref<2x8192x16xf32, #tpu.memory_space<hbm>> -> memref<1x512x16xf32, #tpu.memory_space<hbm>>
      %dma_wait3A_95 = tpu.memref_squeeze %dma_wait3A_94 : memref<1x512x16xf32, #tpu.memory_space<hbm>> -> memref<512x16xf32, #tpu.memory_space<hbm>>
      tpu.wait_dma2 semaphore(%run_scoped3A_83 : memref<!tpu.dma_semaphore, #tpu.memory_space<semaphore_mem>>) src(%arg9 : memref<512x16xf32, #tpu.memory_space<vmem>>) dst(%dma_wait3A_95 : memref<512x16xf32, #tpu.memory_space<hbm>>)
      tpu.yield
    }) : () -> ()
    return
  }
}

module attributes {stable_mosaic.version = 14 : i64} {
  func.func @_argmax_body(%arg0: i32, %arg1: memref<1024x64xf32, #tpu.memory_space<vmem>>, %arg2: memref<64x8192xf32, #tpu.memory_space<vmem>>, %arg3: memref<8x128xi32, #tpu.memory_space<vmem>>, %arg4: memref<64x8192xf32, #tpu.memory_space<vmem>>) attributes {dimension_semantics = [#tpu.dimension_semantics<arbitrary>], iteration_bounds = array<i64: 9>, scalar_prefetch = 0 : i64, scratch_operands = 1 : i64, tpu.core_type = #tpu.core_type<tc>, window_params = [{transform_indices = @transform_0, window_bounds = array<i64: 1024, 64>}, {pipeline_mode = #tpu.pipeline_mode<synchronous>, transform_indices = @transform_1, window_bounds = array<i64: 64, 8192>}, {transform_indices = @transform_2, window_bounds = array<i64: 8, 128>}]} {
    %eq3A = arith.constant 0 : i32
    %eq3A_0 = arith.cmpi eq, %arg0, %eq3A : i32
    %convert_element_type3A = arith.extui %eq3A_0 : i1 to i32
    %cond3A = arith.constant 0 : i32
    %cond3A_1 = arith.cmpi ne, %convert_element_type3A, %cond3A : i32
    scf.if %cond3A_1 {
      %get3A_427 = arith.constant 0 : index
      %get3A_428 = arith.constant 0 : index
      %get3A_429 = vector.load %arg2[%get3A_427, %get3A_428] : memref<64x8192xf32, #tpu.memory_space<vmem>>, vector<64x8192xf32>
      %mul3A_430 = arith.mulf %get3A_429, %get3A_429 : vector<64x8192xf32>
      %reduce_sum3A_431 = arith.constant dense<0.000000e+00> : vector<8192xf32>
      %reduce_sum3A_432 = vector.multi_reduction <add>, %mul3A_430, %reduce_sum3A_431 [0] : vector<64x8192xf32> to vector<8192xf32>
      %broadcast_in_dim3A_433 = vector.shape_cast %reduce_sum3A_432 : vector<8192xf32> to vector<1x8192xf32>
      %sqrt3A_434 = math.sqrt %broadcast_in_dim3A_433 : vector<1x8192xf32>
      %max3A_435 = arith.constant 9.99999996E-13 : f32
      %max3A_436 = vector.broadcast %max3A_435 : f32 to vector<1x8192xf32>
      %max3A_437 = arith.maximumf %sqrt3A_434, %max3A_436 : vector<1x8192xf32>
      %div3A_438 = vector.broadcast %max3A_437 : vector<1x8192xf32> to vector<64x8192xf32>
      %div3A_439 = arith.divf %get3A_429, %div3A_438 : vector<64x8192xf32>
      %swap3A_440 = arith.constant 0 : index
      %swap3A_441 = arith.constant 0 : index
      %swap3A_442 = vector.load %arg4[%swap3A_440, %swap3A_441] : memref<64x8192xf32, #tpu.memory_space<vmem>>, vector<64x8192xf32>
      tpu.vector_store %arg4[%swap3A_440, %swap3A_441], %div3A_439 {strides = array<i32>} : memref<64x8192xf32, #tpu.memory_space<vmem>>, vector<64x8192xf32>,
    } else {
    }
    %get3A = arith.constant 0 : index
    %get3A_2 = arith.constant 0 : index
    %get3A_3 = vector.load %arg1[%get3A, %get3A_2] : memref<1024x64xf32, #tpu.memory_space<vmem>>, vector<1024x64xf32>
    %mul3A = arith.mulf %get3A_3, %get3A_3 : vector<1024x64xf32>
    %reduce_sum3A = arith.constant dense<0.000000e+00> : vector<1024xf32>
    %reduce_sum3A_4 = vector.multi_reduction <add>, %mul3A, %reduce_sum3A [1] : vector<1024x64xf32> to vector<1024xf32>
    %broadcast_in_dim3A = vector.shape_cast %reduce_sum3A_4 : vector<1024xf32> to vector<1024x1xf32>
    %sqrt3A = math.sqrt %broadcast_in_dim3A : vector<1024x1xf32>
    %max3A = arith.constant 9.99999996E-13 : f32
    %max3A_5 = vector.broadcast %max3A : f32 to vector<1024x1xf32>
    %max3A_6 = arith.maximumf %sqrt3A, %max3A_5 : vector<1024x1xf32>
    %div3A = vector.broadcast %max3A_6 : vector<1024x1xf32> to vector<1024x64xf32>
    %div3A_7 = arith.divf %get3A_3, %div3A : vector<1024x64xf32>
    %broadcast_in_dim3A_8 = arith.constant 0xFF800000 : f32
    %broadcast_in_dim3A_9 = vector.broadcast %broadcast_in_dim3A_8 : f32 to vector<1024x128xf32>
    %broadcast_in_dim3A_10 = arith.constant 0.000000e+00 : f32
    %broadcast_in_dim3A_11 = vector.broadcast %broadcast_in_dim3A_10 : f32 to vector<1024x128xf32>
    %get3A_12 = arith.constant 0 : index
    %get3A_13 = arith.constant 0 : index
    %get3A_14 = vector.load %arg4[%get3A_12, %get3A_13] : memref<64x8192xf32, #tpu.memory_space<vmem>>, vector<64x2048xf32>
    %dot_general3A = arith.constant dense<0.000000e+00> : vector<1024x2048xf32>
    %dot_general3A_15 = tpu.matmul %div3A_7, %get3A_14, %dot_general3A {dimension_numbers = #tpu.dot_dimension_numbers<[1], [0], [0], [1], [0, 0, 1, 1], [], []>, transpose_lhs_hint = false} : vector<1024x64xf32>, vector<64x2048xf32>, vector<1024x2048xf32> -> vector<1024x2048xf32>
    %slice3A = vector.extract_strided_slice %dot_general3A_15 {offsets = [0, 0], sizes = [1024, 128], strides = [1, 1]} : vector<1024x2048xf32> to vector<1024x128xf32>
    %gt3A = arith.cmpf ogt, %slice3A, %broadcast_in_dim3A_9 : vector<1024x128xf32>
    %max3A_16 = arith.maximumf %slice3A, %broadcast_in_dim3A_9 : vector<1024x128xf32>
    %jit3A = arith.constant 0.000000e+00 : f32
    %broadcast_in_dim3A_17 = vector.broadcast %jit3A : f32 to vector<1024x128xf32>
    %select_n3A = arith.select %gt3A, %broadcast_in_dim3A_17, %broadcast_in_dim3A_11 : vector<1024x128xi1>, vector<1024x128xf32>
    %slice3A_18 = vector.extract_strided_slice %dot_general3A_15 {offsets = [0, 128], sizes = [1024, 128], strides = [1, 1]} : vector<1024x2048xf32> to vector<1024x128xf32>
    %gt3A_19 = arith.cmpf ogt, %slice3A_18, %max3A_16 : vector<1024x128xf32>
    %max3A_20 = arith.maximumf %slice3A_18, %max3A_16 : vector<1024x128xf32>
    %jit3A_21 = arith.constant 1.000000e+00 : f32
    %broadcast_in_dim3A_22 = vector.broadcast %jit3A_21 : f32 to vector<1024x128xf32>
    %select_n3A_23 = arith.select %gt3A_19, %broadcast_in_dim3A_22, %select_n3A : vector<1024x128xi1>, vector<1024x128xf32>
    %slice3A_24 = vector.extract_strided_slice %dot_general3A_15 {offsets = [0, 256], sizes = [1024, 128], strides = [1, 1]} : vector<1024x2048xf32> to vector<1024x128xf32>
    %gt3A_25 = arith.cmpf ogt, %slice3A_24, %max3A_20 : vector<1024x128xf32>
    %max3A_26 = arith.maximumf %slice3A_24, %max3A_20 : vector<1024x128xf32>
    %jit3A_27 = arith.constant 2.000000e+00 : f32
    %broadcast_in_dim3A_28 = vector.broadcast %jit3A_27 : f32 to vector<1024x128xf32>
    %select_n3A_29 = arith.select %gt3A_25, %broadcast_in_dim3A_28, %select_n3A_23 : vector<1024x128xi1>, vector<1024x128xf32>
    %slice3A_30 = vector.extract_strided_slice %dot_general3A_15 {offsets = [0, 384], sizes = [1024, 128], strides = [1, 1]} : vector<1024x2048xf32> to vector<1024x128xf32>
    %gt3A_31 = arith.cmpf ogt, %slice3A_30, %max3A_26 : vector<1024x128xf32>
    %max3A_32 = arith.maximumf %slice3A_30, %max3A_26 : vector<1024x128xf32>
    %jit3A_33 = arith.constant 3.000000e+00 : f32
    %broadcast_in_dim3A_34 = vector.broadcast %jit3A_33 : f32 to vector<1024x128xf32>
    %select_n3A_35 = arith.select %gt3A_31, %broadcast_in_dim3A_34, %select_n3A_29 : vector<1024x128xi1>, vector<1024x128xf32>
    %slice3A_36 = vector.extract_strided_slice %dot_general3A_15 {offsets = [0, 512], sizes = [1024, 128], strides = [1, 1]} : vector<1024x2048xf32> to vector<1024x128xf32>
    %gt3A_37 = arith.cmpf ogt, %slice3A_36, %max3A_32 : vector<1024x128xf32>
    %max3A_38 = arith.maximumf %slice3A_36, %max3A_32 : vector<1024x128xf32>
    %jit3A_39 = arith.constant 4.000000e+00 : f32
    %broadcast_in_dim3A_40 = vector.broadcast %jit3A_39 : f32 to vector<1024x128xf32>
    %select_n3A_41 = arith.select %gt3A_37, %broadcast_in_dim3A_40, %select_n3A_35 : vector<1024x128xi1>, vector<1024x128xf32>
    %slice3A_42 = vector.extract_strided_slice %dot_general3A_15 {offsets = [0, 640], sizes = [1024, 128], strides = [1, 1]} : vector<1024x2048xf32> to vector<1024x128xf32>
    %gt3A_43 = arith.cmpf ogt, %slice3A_42, %max3A_38 : vector<1024x128xf32>
    %max3A_44 = arith.maximumf %slice3A_42, %max3A_38 : vector<1024x128xf32>
    %jit3A_45 = arith.constant 5.000000e+00 : f32
    %broadcast_in_dim3A_46 = vector.broadcast %jit3A_45 : f32 to vector<1024x128xf32>
    %select_n3A_47 = arith.select %gt3A_43, %broadcast_in_dim3A_46, %select_n3A_41 : vector<1024x128xi1>, vector<1024x128xf32>
    %slice3A_48 = vector.extract_strided_slice %dot_general3A_15 {offsets = [0, 768], sizes = [1024, 128], strides = [1, 1]} : vector<1024x2048xf32> to vector<1024x128xf32>
    %gt3A_49 = arith.cmpf ogt, %slice3A_48, %max3A_44 : vector<1024x128xf32>
    %max3A_50 = arith.maximumf %slice3A_48, %max3A_44 : vector<1024x128xf32>
    %jit3A_51 = arith.constant 6.000000e+00 : f32
    %broadcast_in_dim3A_52 = vector.broadcast %jit3A_51 : f32 to vector<1024x128xf32>
    %select_n3A_53 = arith.select %gt3A_49, %broadcast_in_dim3A_52, %select_n3A_47 : vector<1024x128xi1>, vector<1024x128xf32>
    %slice3A_54 = vector.extract_strided_slice %dot_general3A_15 {offsets = [0, 896], sizes = [1024, 128], strides = [1, 1]} : vector<1024x2048xf32> to vector<1024x128xf32>
    %gt3A_55 = arith.cmpf ogt, %slice3A_54, %max3A_50 : vector<1024x128xf32>
    %max3A_56 = arith.maximumf %slice3A_54, %max3A_50 : vector<1024x128xf32>
    %jit3A_57 = arith.constant 7.000000e+00 : f32
    %broadcast_in_dim3A_58 = vector.broadcast %jit3A_57 : f32 to vector<1024x128xf32>
    %select_n3A_59 = arith.select %gt3A_55, %broadcast_in_dim3A_58, %select_n3A_53 : vector<1024x128xi1>, vector<1024x128xf32>
    %slice3A_60 = vector.extract_strided_slice %dot_general3A_15 {offsets = [0, 1024], sizes = [1024, 128], strides = [1, 1]} : vector<1024x2048xf32> to vector<1024x128xf32>
    %gt3A_61 = arith.cmpf ogt, %slice3A_60, %max3A_56 : vector<1024x128xf32>
    %max3A_62 = arith.maximumf %slice3A_60, %max3A_56 : vector<1024x128xf32>
    %jit3A_63 = arith.constant 8.000000e+00 : f32
    %broadcast_in_dim3A_64 = vector.broadcast %jit3A_63 : f32 to vector<1024x128xf32>
    %select_n3A_65 = arith.select %gt3A_61, %broadcast_in_dim3A_64, %select_n3A_59 : vector<1024x128xi1>, vector<1024x128xf32>
    %slice3A_66 = vector.extract_strided_slice %dot_general3A_15 {offsets = [0, 1152], sizes = [1024, 128], strides = [1, 1]} : vector<1024x2048xf32> to vector<1024x128xf32>
    %gt3A_67 = arith.cmpf ogt, %slice3A_66, %max3A_62 : vector<1024x128xf32>
    %max3A_68 = arith.maximumf %slice3A_66, %max3A_62 : vector<1024x128xf32>
    %jit3A_69 = arith.constant 9.000000e+00 : f32
    %broadcast_in_dim3A_70 = vector.broadcast %jit3A_69 : f32 to vector<1024x128xf32>
    %select_n3A_71 = arith.select %gt3A_67, %broadcast_in_dim3A_70, %select_n3A_65 : vector<1024x128xi1>, vector<1024x128xf32>
    %slice3A_72 = vector.extract_strided_slice %dot_general3A_15 {offsets = [0, 1280], sizes = [1024, 128], strides = [1, 1]} : vector<1024x2048xf32> to vector<1024x128xf32>
    %gt3A_73 = arith.cmpf ogt, %slice3A_72, %max3A_68 : vector<1024x128xf32>
    %max3A_74 = arith.maximumf %slice3A_72, %max3A_68 : vector<1024x128xf32>
    %jit3A_75 = arith.constant 1.000000e+01 : f32
    %broadcast_in_dim3A_76 = vector.broadcast %jit3A_75 : f32 to vector<1024x128xf32>
    %select_n3A_77 = arith.select %gt3A_73, %broadcast_in_dim3A_76, %select_n3A_71 : vector<1024x128xi1>, vector<1024x128xf32>
    %slice3A_78 = vector.extract_strided_slice %dot_general3A_15 {offsets = [0, 1408], sizes = [1024, 128], strides = [1, 1]} : vector<1024x2048xf32> to vector<1024x128xf32>
    %gt3A_79 = arith.cmpf ogt, %slice3A_78, %max3A_74 : vector<1024x128xf32>
    %max3A_80 = arith.maximumf %slice3A_78, %max3A_74 : vector<1024x128xf32>
    %jit3A_81 = arith.constant 1.100000e+01 : f32
    %broadcast_in_dim3A_82 = vector.broadcast %jit3A_81 : f32 to vector<1024x128xf32>
    %select_n3A_83 = arith.select %gt3A_79, %broadcast_in_dim3A_82, %select_n3A_77 : vector<1024x128xi1>, vector<1024x128xf32>
    %slice3A_84 = vector.extract_strided_slice %dot_general3A_15 {offsets = [0, 1536], sizes = [1024, 128], strides = [1, 1]} : vector<1024x2048xf32> to vector<1024x128xf32>
    %gt3A_85 = arith.cmpf ogt, %slice3A_84, %max3A_80 : vector<1024x128xf32>
    %max3A_86 = arith.maximumf %slice3A_84, %max3A_80 : vector<1024x128xf32>
    %jit3A_87 = arith.constant 1.200000e+01 : f32
    %broadcast_in_dim3A_88 = vector.broadcast %jit3A_87 : f32 to vector<1024x128xf32>
    %select_n3A_89 = arith.select %gt3A_85, %broadcast_in_dim3A_88, %select_n3A_83 : vector<1024x128xi1>, vector<1024x128xf32>
    %slice3A_90 = vector.extract_strided_slice %dot_general3A_15 {offsets = [0, 1664], sizes = [1024, 128], strides = [1, 1]} : vector<1024x2048xf32> to vector<1024x128xf32>
    %gt3A_91 = arith.cmpf ogt, %slice3A_90, %max3A_86 : vector<1024x128xf32>
    %max3A_92 = arith.maximumf %slice3A_90, %max3A_86 : vector<1024x128xf32>
    %jit3A_93 = arith.constant 1.300000e+01 : f32
    %broadcast_in_dim3A_94 = vector.broadcast %jit3A_93 : f32 to vector<1024x128xf32>
    %select_n3A_95 = arith.select %gt3A_91, %broadcast_in_dim3A_94, %select_n3A_89 : vector<1024x128xi1>, vector<1024x128xf32>
    %slice3A_96 = vector.extract_strided_slice %dot_general3A_15 {offsets = [0, 1792], sizes = [1024, 128], strides = [1, 1]} : vector<1024x2048xf32> to vector<1024x128xf32>
    %gt3A_97 = arith.cmpf ogt, %slice3A_96, %max3A_92 : vector<1024x128xf32>
    %max3A_98 = arith.maximumf %slice3A_96, %max3A_92 : vector<1024x128xf32>
    %jit3A_99 = arith.constant 1.400000e+01 : f32
    %broadcast_in_dim3A_100 = vector.broadcast %jit3A_99 : f32 to vector<1024x128xf32>
    %select_n3A_101 = arith.select %gt3A_97, %broadcast_in_dim3A_100, %select_n3A_95 : vector<1024x128xi1>, vector<1024x128xf32>
    %slice3A_102 = vector.extract_strided_slice %dot_general3A_15 {offsets = [0, 1920], sizes = [1024, 128], strides = [1, 1]} : vector<1024x2048xf32> to vector<1024x128xf32>
    %gt3A_103 = arith.cmpf ogt, %slice3A_102, %max3A_98 : vector<1024x128xf32>
    %max3A_104 = arith.maximumf %slice3A_102, %max3A_98 : vector<1024x128xf32>
    %jit3A_105 = arith.constant 1.500000e+01 : f32
    %broadcast_in_dim3A_106 = vector.broadcast %jit3A_105 : f32 to vector<1024x128xf32>
    %select_n3A_107 = arith.select %gt3A_103, %broadcast_in_dim3A_106, %select_n3A_101 : vector<1024x128xi1>, vector<1024x128xf32>
    %get3A_108 = arith.constant 0 : index
    %get3A_109 = arith.constant 2048 : index
    %get3A_110 = vector.load %arg4[%get3A_108, %get3A_109] : memref<64x8192xf32, #tpu.memory_space<vmem>>, vector<64x2048xf32>
    %dot_general3A_111 = arith.constant dense<0.000000e+00> : vector<1024x2048xf32>
    %dot_general3A_112 = tpu.matmul %div3A_7, %get3A_110, %dot_general3A_111 {dimension_numbers = #tpu.dot_dimension_numbers<[1], [0], [0], [1], [0, 0, 1, 1], [], []>, transpose_lhs_hint = false} : vector<1024x64xf32>, vector<64x2048xf32>, vector<1024x2048xf32> -> vector<1024x2048xf32>
    %slice3A_113 = vector.extract_strided_slice %dot_general3A_112 {offsets = [0, 0], sizes = [1024, 128], strides = [1, 1]} : vector<1024x2048xf32> to vector<1024x128xf32>
    %gt3A_114 = arith.cmpf ogt, %slice3A_113, %max3A_104 : vector<1024x128xf32>
    %max3A_115 = arith.maximumf %slice3A_113, %max3A_104 : vector<1024x128xf32>
    %jit3A_116 = arith.constant 1.600000e+01 : f32
    %broadcast_in_dim3A_117 = vector.broadcast %jit3A_116 : f32 to vector<1024x128xf32>
    %select_n3A_118 = arith.select %gt3A_114, %broadcast_in_dim3A_117, %select_n3A_107 : vector<1024x128xi1>, vector<1024x128xf32>
    %slice3A_119 = vector.extract_strided_slice %dot_general3A_112 {offsets = [0, 128], sizes = [1024, 128], strides = [1, 1]} : vector<1024x2048xf32> to vector<1024x128xf32>
    %gt3A_120 = arith.cmpf ogt, %slice3A_119, %max3A_115 : vector<1024x128xf32>
    %max3A_121 = arith.maximumf %slice3A_119, %max3A_115 : vector<1024x128xf32>
    %jit3A_122 = arith.constant 1.700000e+01 : f32
    %broadcast_in_dim3A_123 = vector.broadcast %jit3A_122 : f32 to vector<1024x128xf32>
    %select_n3A_124 = arith.select %gt3A_120, %broadcast_in_dim3A_123, %select_n3A_118 : vector<1024x128xi1>, vector<1024x128xf32>
    %slice3A_125 = vector.extract_strided_slice %dot_general3A_112 {offsets = [0, 256], sizes = [1024, 128], strides = [1, 1]} : vector<1024x2048xf32> to vector<1024x128xf32>
    %gt3A_126 = arith.cmpf ogt, %slice3A_125, %max3A_121 : vector<1024x128xf32>
    %max3A_127 = arith.maximumf %slice3A_125, %max3A_121 : vector<1024x128xf32>
    %jit3A_128 = arith.constant 1.800000e+01 : f32
    %broadcast_in_dim3A_129 = vector.broadcast %jit3A_128 : f32 to vector<1024x128xf32>
    %select_n3A_130 = arith.select %gt3A_126, %broadcast_in_dim3A_129, %select_n3A_124 : vector<1024x128xi1>, vector<1024x128xf32>
    %slice3A_131 = vector.extract_strided_slice %dot_general3A_112 {offsets = [0, 384], sizes = [1024, 128], strides = [1, 1]} : vector<1024x2048xf32> to vector<1024x128xf32>
    %gt3A_132 = arith.cmpf ogt, %slice3A_131, %max3A_127 : vector<1024x128xf32>
    %max3A_133 = arith.maximumf %slice3A_131, %max3A_127 : vector<1024x128xf32>
    %jit3A_134 = arith.constant 1.900000e+01 : f32
    %broadcast_in_dim3A_135 = vector.broadcast %jit3A_134 : f32 to vector<1024x128xf32>
    %select_n3A_136 = arith.select %gt3A_132, %broadcast_in_dim3A_135, %select_n3A_130 : vector<1024x128xi1>, vector<1024x128xf32>
    %slice3A_137 = vector.extract_strided_slice %dot_general3A_112 {offsets = [0, 512], sizes = [1024, 128], strides = [1, 1]} : vector<1024x2048xf32> to vector<1024x128xf32>
    %gt3A_138 = arith.cmpf ogt, %slice3A_137, %max3A_133 : vector<1024x128xf32>
    %max3A_139 = arith.maximumf %slice3A_137, %max3A_133 : vector<1024x128xf32>
    %jit3A_140 = arith.constant 2.000000e+01 : f32
    %broadcast_in_dim3A_141 = vector.broadcast %jit3A_140 : f32 to vector<1024x128xf32>
    %select_n3A_142 = arith.select %gt3A_138, %broadcast_in_dim3A_141, %select_n3A_136 : vector<1024x128xi1>, vector<1024x128xf32>
    %slice3A_143 = vector.extract_strided_slice %dot_general3A_112 {offsets = [0, 640], sizes = [1024, 128], strides = [1, 1]} : vector<1024x2048xf32> to vector<1024x128xf32>
    %gt3A_144 = arith.cmpf ogt, %slice3A_143, %max3A_139 : vector<1024x128xf32>
    %max3A_145 = arith.maximumf %slice3A_143, %max3A_139 : vector<1024x128xf32>
    %jit3A_146 = arith.constant 2.100000e+01 : f32
    %broadcast_in_dim3A_147 = vector.broadcast %jit3A_146 : f32 to vector<1024x128xf32>
    %select_n3A_148 = arith.select %gt3A_144, %broadcast_in_dim3A_147, %select_n3A_142 : vector<1024x128xi1>, vector<1024x128xf32>
    %slice3A_149 = vector.extract_strided_slice %dot_general3A_112 {offsets = [0, 768], sizes = [1024, 128], strides = [1, 1]} : vector<1024x2048xf32> to vector<1024x128xf32>
    %gt3A_150 = arith.cmpf ogt, %slice3A_149, %max3A_145 : vector<1024x128xf32>
    %max3A_151 = arith.maximumf %slice3A_149, %max3A_145 : vector<1024x128xf32>
    %jit3A_152 = arith.constant 2.200000e+01 : f32
    %broadcast_in_dim3A_153 = vector.broadcast %jit3A_152 : f32 to vector<1024x128xf32>
    %select_n3A_154 = arith.select %gt3A_150, %broadcast_in_dim3A_153, %select_n3A_148 : vector<1024x128xi1>, vector<1024x128xf32>
    %slice3A_155 = vector.extract_strided_slice %dot_general3A_112 {offsets = [0, 896], sizes = [1024, 128], strides = [1, 1]} : vector<1024x2048xf32> to vector<1024x128xf32>
    %gt3A_156 = arith.cmpf ogt, %slice3A_155, %max3A_151 : vector<1024x128xf32>
    %max3A_157 = arith.maximumf %slice3A_155, %max3A_151 : vector<1024x128xf32>
    %jit3A_158 = arith.constant 2.300000e+01 : f32
    %broadcast_in_dim3A_159 = vector.broadcast %jit3A_158 : f32 to vector<1024x128xf32>
    %select_n3A_160 = arith.select %gt3A_156, %broadcast_in_dim3A_159, %select_n3A_154 : vector<1024x128xi1>, vector<1024x128xf32>
    %slice3A_161 = vector.extract_strided_slice %dot_general3A_112 {offsets = [0, 1024], sizes = [1024, 128], strides = [1, 1]} : vector<1024x2048xf32> to vector<1024x128xf32>
    %gt3A_162 = arith.cmpf ogt, %slice3A_161, %max3A_157 : vector<1024x128xf32>
    %max3A_163 = arith.maximumf %slice3A_161, %max3A_157 : vector<1024x128xf32>
    %jit3A_164 = arith.constant 2.400000e+01 : f32
    %broadcast_in_dim3A_165 = vector.broadcast %jit3A_164 : f32 to vector<1024x128xf32>
    %select_n3A_166 = arith.select %gt3A_162, %broadcast_in_dim3A_165, %select_n3A_160 : vector<1024x128xi1>, vector<1024x128xf32>
    %slice3A_167 = vector.extract_strided_slice %dot_general3A_112 {offsets = [0, 1152], sizes = [1024, 128], strides = [1, 1]} : vector<1024x2048xf32> to vector<1024x128xf32>
    %gt3A_168 = arith.cmpf ogt, %slice3A_167, %max3A_163 : vector<1024x128xf32>
    %max3A_169 = arith.maximumf %slice3A_167, %max3A_163 : vector<1024x128xf32>
    %jit3A_170 = arith.constant 2.500000e+01 : f32
    %broadcast_in_dim3A_171 = vector.broadcast %jit3A_170 : f32 to vector<1024x128xf32>
    %select_n3A_172 = arith.select %gt3A_168, %broadcast_in_dim3A_171, %select_n3A_166 : vector<1024x128xi1>, vector<1024x128xf32>
    %slice3A_173 = vector.extract_strided_slice %dot_general3A_112 {offsets = [0, 1280], sizes = [1024, 128], strides = [1, 1]} : vector<1024x2048xf32> to vector<1024x128xf32>
    %gt3A_174 = arith.cmpf ogt, %slice3A_173, %max3A_169 : vector<1024x128xf32>
    %max3A_175 = arith.maximumf %slice3A_173, %max3A_169 : vector<1024x128xf32>
    %jit3A_176 = arith.constant 2.600000e+01 : f32
    %broadcast_in_dim3A_177 = vector.broadcast %jit3A_176 : f32 to vector<1024x128xf32>
    %select_n3A_178 = arith.select %gt3A_174, %broadcast_in_dim3A_177, %select_n3A_172 : vector<1024x128xi1>, vector<1024x128xf32>
    %slice3A_179 = vector.extract_strided_slice %dot_general3A_112 {offsets = [0, 1408], sizes = [1024, 128], strides = [1, 1]} : vector<1024x2048xf32> to vector<1024x128xf32>
    %gt3A_180 = arith.cmpf ogt, %slice3A_179, %max3A_175 : vector<1024x128xf32>
    %max3A_181 = arith.maximumf %slice3A_179, %max3A_175 : vector<1024x128xf32>
    %jit3A_182 = arith.constant 2.700000e+01 : f32
    %broadcast_in_dim3A_183 = vector.broadcast %jit3A_182 : f32 to vector<1024x128xf32>
    %select_n3A_184 = arith.select %gt3A_180, %broadcast_in_dim3A_183, %select_n3A_178 : vector<1024x128xi1>, vector<1024x128xf32>
    %slice3A_185 = vector.extract_strided_slice %dot_general3A_112 {offsets = [0, 1536], sizes = [1024, 128], strides = [1, 1]} : vector<1024x2048xf32> to vector<1024x128xf32>
    %gt3A_186 = arith.cmpf ogt, %slice3A_185, %max3A_181 : vector<1024x128xf32>
    %max3A_187 = arith.maximumf %slice3A_185, %max3A_181 : vector<1024x128xf32>
    %jit3A_188 = arith.constant 2.800000e+01 : f32
    %broadcast_in_dim3A_189 = vector.broadcast %jit3A_188 : f32 to vector<1024x128xf32>
    %select_n3A_190 = arith.select %gt3A_186, %broadcast_in_dim3A_189, %select_n3A_184 : vector<1024x128xi1>, vector<1024x128xf32>
    %slice3A_191 = vector.extract_strided_slice %dot_general3A_112 {offsets = [0, 1664], sizes = [1024, 128], strides = [1, 1]} : vector<1024x2048xf32> to vector<1024x128xf32>
    %gt3A_192 = arith.cmpf ogt, %slice3A_191, %max3A_187 : vector<1024x128xf32>
    %max3A_193 = arith.maximumf %slice3A_191, %max3A_187 : vector<1024x128xf32>
    %jit3A_194 = arith.constant 2.900000e+01 : f32
    %broadcast_in_dim3A_195 = vector.broadcast %jit3A_194 : f32 to vector<1024x128xf32>
    %select_n3A_196 = arith.select %gt3A_192, %broadcast_in_dim3A_195, %select_n3A_190 : vector<1024x128xi1>, vector<1024x128xf32>
    %slice3A_197 = vector.extract_strided_slice %dot_general3A_112 {offsets = [0, 1792], sizes = [1024, 128], strides = [1, 1]} : vector<1024x2048xf32> to vector<1024x128xf32>
    %gt3A_198 = arith.cmpf ogt, %slice3A_197, %max3A_193 : vector<1024x128xf32>
    %max3A_199 = arith.maximumf %slice3A_197, %max3A_193 : vector<1024x128xf32>
    %jit3A_200 = arith.constant 3.000000e+01 : f32
    %broadcast_in_dim3A_201 = vector.broadcast %jit3A_200 : f32 to vector<1024x128xf32>
    %select_n3A_202 = arith.select %gt3A_198, %broadcast_in_dim3A_201, %select_n3A_196 : vector<1024x128xi1>, vector<1024x128xf32>
    %slice3A_203 = vector.extract_strided_slice %dot_general3A_112 {offsets = [0, 1920], sizes = [1024, 128], strides = [1, 1]} : vector<1024x2048xf32> to vector<1024x128xf32>
    %gt3A_204 = arith.cmpf ogt, %slice3A_203, %max3A_199 : vector<1024x128xf32>
    %max3A_205 = arith.maximumf %slice3A_203, %max3A_199 : vector<1024x128xf32>
    %jit3A_206 = arith.constant 3.100000e+01 : f32
    %broadcast_in_dim3A_207 = vector.broadcast %jit3A_206 : f32 to vector<1024x128xf32>
    %select_n3A_208 = arith.select %gt3A_204, %broadcast_in_dim3A_207, %select_n3A_202 : vector<1024x128xi1>, vector<1024x128xf32>
    %get3A_209 = arith.constant 0 : index
    %get3A_210 = arith.constant 4096 : index
    %get3A_211 = vector.load %arg4[%get3A_209, %get3A_210] : memref<64x8192xf32, #tpu.memory_space<vmem>>, vector<64x2048xf32>
    %dot_general3A_212 = arith.constant dense<0.000000e+00> : vector<1024x2048xf32>
    %dot_general3A_213 = tpu.matmul %div3A_7, %get3A_211, %dot_general3A_212 {dimension_numbers = #tpu.dot_dimension_numbers<[1], [0], [0], [1], [0, 0, 1, 1], [], []>, transpose_lhs_hint = false} : vector<1024x64xf32>, vector<64x2048xf32>, vector<1024x2048xf32> -> vector<1024x2048xf32>
    %slice3A_214 = vector.extract_strided_slice %dot_general3A_213 {offsets = [0, 0], sizes = [1024, 128], strides = [1, 1]} : vector<1024x2048xf32> to vector<1024x128xf32>
    %gt3A_215 = arith.cmpf ogt, %slice3A_214, %max3A_205 : vector<1024x128xf32>
    %max3A_216 = arith.maximumf %slice3A_214, %max3A_205 : vector<1024x128xf32>
    %jit3A_217 = arith.constant 3.200000e+01 : f32
    %broadcast_in_dim3A_218 = vector.broadcast %jit3A_217 : f32 to vector<1024x128xf32>
    %select_n3A_219 = arith.select %gt3A_215, %broadcast_in_dim3A_218, %select_n3A_208 : vector<1024x128xi1>, vector<1024x128xf32>
    %slice3A_220 = vector.extract_strided_slice %dot_general3A_213 {offsets = [0, 128], sizes = [1024, 128], strides = [1, 1]} : vector<1024x2048xf32> to vector<1024x128xf32>
    %gt3A_221 = arith.cmpf ogt, %slice3A_220, %max3A_216 : vector<1024x128xf32>
    %max3A_222 = arith.maximumf %slice3A_220, %max3A_216 : vector<1024x128xf32>
    %jit3A_223 = arith.constant 3.300000e+01 : f32
    %broadcast_in_dim3A_224 = vector.broadcast %jit3A_223 : f32 to vector<1024x128xf32>
    %select_n3A_225 = arith.select %gt3A_221, %broadcast_in_dim3A_224, %select_n3A_219 : vector<1024x128xi1>, vector<1024x128xf32>
    %slice3A_226 = vector.extract_strided_slice %dot_general3A_213 {offsets = [0, 256], sizes = [1024, 128], strides = [1, 1]} : vector<1024x2048xf32> to vector<1024x128xf32>
    %gt3A_227 = arith.cmpf ogt, %slice3A_226, %max3A_222 : vector<1024x128xf32>
    %max3A_228 = arith.maximumf %slice3A_226, %max3A_222 : vector<1024x128xf32>
    %jit3A_229 = arith.constant 3.400000e+01 : f32
    %broadcast_in_dim3A_230 = vector.broadcast %jit3A_229 : f32 to vector<1024x128xf32>
    %select_n3A_231 = arith.select %gt3A_227, %broadcast_in_dim3A_230, %select_n3A_225 : vector<1024x128xi1>, vector<1024x128xf32>
    %slice3A_232 = vector.extract_strided_slice %dot_general3A_213 {offsets = [0, 384], sizes = [1024, 128], strides = [1, 1]} : vector<1024x2048xf32> to vector<1024x128xf32>
    %gt3A_233 = arith.cmpf ogt, %slice3A_232, %max3A_228 : vector<1024x128xf32>
    %max3A_234 = arith.maximumf %slice3A_232, %max3A_228 : vector<1024x128xf32>
    %jit3A_235 = arith.constant 3.500000e+01 : f32
    %broadcast_in_dim3A_236 = vector.broadcast %jit3A_235 : f32 to vector<1024x128xf32>
    %select_n3A_237 = arith.select %gt3A_233, %broadcast_in_dim3A_236, %select_n3A_231 : vector<1024x128xi1>, vector<1024x128xf32>
    %slice3A_238 = vector.extract_strided_slice %dot_general3A_213 {offsets = [0, 512], sizes = [1024, 128], strides = [1, 1]} : vector<1024x2048xf32> to vector<1024x128xf32>
    %gt3A_239 = arith.cmpf ogt, %slice3A_238, %max3A_234 : vector<1024x128xf32>
    %max3A_240 = arith.maximumf %slice3A_238, %max3A_234 : vector<1024x128xf32>
    %jit3A_241 = arith.constant 3.600000e+01 : f32
    %broadcast_in_dim3A_242 = vector.broadcast %jit3A_241 : f32 to vector<1024x128xf32>
    %select_n3A_243 = arith.select %gt3A_239, %broadcast_in_dim3A_242, %select_n3A_237 : vector<1024x128xi1>, vector<1024x128xf32>
    %slice3A_244 = vector.extract_strided_slice %dot_general3A_213 {offsets = [0, 640], sizes = [1024, 128], strides = [1, 1]} : vector<1024x2048xf32> to vector<1024x128xf32>
    %gt3A_245 = arith.cmpf ogt, %slice3A_244, %max3A_240 : vector<1024x128xf32>
    %max3A_246 = arith.maximumf %slice3A_244, %max3A_240 : vector<1024x128xf32>
    %jit3A_247 = arith.constant 3.700000e+01 : f32
    %broadcast_in_dim3A_248 = vector.broadcast %jit3A_247 : f32 to vector<1024x128xf32>
    %select_n3A_249 = arith.select %gt3A_245, %broadcast_in_dim3A_248, %select_n3A_243 : vector<1024x128xi1>, vector<1024x128xf32>
    %slice3A_250 = vector.extract_strided_slice %dot_general3A_213 {offsets = [0, 768], sizes = [1024, 128], strides = [1, 1]} : vector<1024x2048xf32> to vector<1024x128xf32>
    %gt3A_251 = arith.cmpf ogt, %slice3A_250, %max3A_246 : vector<1024x128xf32>
    %max3A_252 = arith.maximumf %slice3A_250, %max3A_246 : vector<1024x128xf32>
    %jit3A_253 = arith.constant 3.800000e+01 : f32
    %broadcast_in_dim3A_254 = vector.broadcast %jit3A_253 : f32 to vector<1024x128xf32>
    %select_n3A_255 = arith.select %gt3A_251, %broadcast_in_dim3A_254, %select_n3A_249 : vector<1024x128xi1>, vector<1024x128xf32>
    %slice3A_256 = vector.extract_strided_slice %dot_general3A_213 {offsets = [0, 896], sizes = [1024, 128], strides = [1, 1]} : vector<1024x2048xf32> to vector<1024x128xf32>
    %gt3A_257 = arith.cmpf ogt, %slice3A_256, %max3A_252 : vector<1024x128xf32>
    %max3A_258 = arith.maximumf %slice3A_256, %max3A_252 : vector<1024x128xf32>
    %jit3A_259 = arith.constant 3.900000e+01 : f32
    %broadcast_in_dim3A_260 = vector.broadcast %jit3A_259 : f32 to vector<1024x128xf32>
    %select_n3A_261 = arith.select %gt3A_257, %broadcast_in_dim3A_260, %select_n3A_255 : vector<1024x128xi1>, vector<1024x128xf32>
    %slice3A_262 = vector.extract_strided_slice %dot_general3A_213 {offsets = [0, 1024], sizes = [1024, 128], strides = [1, 1]} : vector<1024x2048xf32> to vector<1024x128xf32>
    %gt3A_263 = arith.cmpf ogt, %slice3A_262, %max3A_258 : vector<1024x128xf32>
    %max3A_264 = arith.maximumf %slice3A_262, %max3A_258 : vector<1024x128xf32>
    %jit3A_265 = arith.constant 4.000000e+01 : f32
    %broadcast_in_dim3A_266 = vector.broadcast %jit3A_265 : f32 to vector<1024x128xf32>
    %select_n3A_267 = arith.select %gt3A_263, %broadcast_in_dim3A_266, %select_n3A_261 : vector<1024x128xi1>, vector<1024x128xf32>
    %slice3A_268 = vector.extract_strided_slice %dot_general3A_213 {offsets = [0, 1152], sizes = [1024, 128], strides = [1, 1]} : vector<1024x2048xf32> to vector<1024x128xf32>
    %gt3A_269 = arith.cmpf ogt, %slice3A_268, %max3A_264 : vector<1024x128xf32>
    %max3A_270 = arith.maximumf %slice3A_268, %max3A_264 : vector<1024x128xf32>
    %jit3A_271 = arith.constant 4.100000e+01 : f32
    %broadcast_in_dim3A_272 = vector.broadcast %jit3A_271 : f32 to vector<1024x128xf32>
    %select_n3A_273 = arith.select %gt3A_269, %broadcast_in_dim3A_272, %select_n3A_267 : vector<1024x128xi1>, vector<1024x128xf32>
    %slice3A_274 = vector.extract_strided_slice %dot_general3A_213 {offsets = [0, 1280], sizes = [1024, 128], strides = [1, 1]} : vector<1024x2048xf32> to vector<1024x128xf32>
    %gt3A_275 = arith.cmpf ogt, %slice3A_274, %max3A_270 : vector<1024x128xf32>
    %max3A_276 = arith.maximumf %slice3A_274, %max3A_270 : vector<1024x128xf32>
    %jit3A_277 = arith.constant 4.200000e+01 : f32
    %broadcast_in_dim3A_278 = vector.broadcast %jit3A_277 : f32 to vector<1024x128xf32>
    %select_n3A_279 = arith.select %gt3A_275, %broadcast_in_dim3A_278, %select_n3A_273 : vector<1024x128xi1>, vector<1024x128xf32>
    %slice3A_280 = vector.extract_strided_slice %dot_general3A_213 {offsets = [0, 1408], sizes = [1024, 128], strides = [1, 1]} : vector<1024x2048xf32> to vector<1024x128xf32>
    %gt3A_281 = arith.cmpf ogt, %slice3A_280, %max3A_276 : vector<1024x128xf32>
    %max3A_282 = arith.maximumf %slice3A_280, %max3A_276 : vector<1024x128xf32>
    %jit3A_283 = arith.constant 4.300000e+01 : f32
    %broadcast_in_dim3A_284 = vector.broadcast %jit3A_283 : f32 to vector<1024x128xf32>
    %select_n3A_285 = arith.select %gt3A_281, %broadcast_in_dim3A_284, %select_n3A_279 : vector<1024x128xi1>, vector<1024x128xf32>
    %slice3A_286 = vector.extract_strided_slice %dot_general3A_213 {offsets = [0, 1536], sizes = [1024, 128], strides = [1, 1]} : vector<1024x2048xf32> to vector<1024x128xf32>
    %gt3A_287 = arith.cmpf ogt, %slice3A_286, %max3A_282 : vector<1024x128xf32>
    %max3A_288 = arith.maximumf %slice3A_286, %max3A_282 : vector<1024x128xf32>
    %jit3A_289 = arith.constant 4.400000e+01 : f32
    %broadcast_in_dim3A_290 = vector.broadcast %jit3A_289 : f32 to vector<1024x128xf32>
    %select_n3A_291 = arith.select %gt3A_287, %broadcast_in_dim3A_290, %select_n3A_285 : vector<1024x128xi1>, vector<1024x128xf32>
    %slice3A_292 = vector.extract_strided_slice %dot_general3A_213 {offsets = [0, 1664], sizes = [1024, 128], strides = [1, 1]} : vector<1024x2048xf32> to vector<1024x128xf32>
    %gt3A_293 = arith.cmpf ogt, %slice3A_292, %max3A_288 : vector<1024x128xf32>
    %max3A_294 = arith.maximumf %slice3A_292, %max3A_288 : vector<1024x128xf32>
    %jit3A_295 = arith.constant 4.500000e+01 : f32
    %broadcast_in_dim3A_296 = vector.broadcast %jit3A_295 : f32 to vector<1024x128xf32>
    %select_n3A_297 = arith.select %gt3A_293, %broadcast_in_dim3A_296, %select_n3A_291 : vector<1024x128xi1>, vector<1024x128xf32>
    %slice3A_298 = vector.extract_strided_slice %dot_general3A_213 {offsets = [0, 1792], sizes = [1024, 128], strides = [1, 1]} : vector<1024x2048xf32> to vector<1024x128xf32>
    %gt3A_299 = arith.cmpf ogt, %slice3A_298, %max3A_294 : vector<1024x128xf32>
    %max3A_300 = arith.maximumf %slice3A_298, %max3A_294 : vector<1024x128xf32>
    %jit3A_301 = arith.constant 4.600000e+01 : f32
    %broadcast_in_dim3A_302 = vector.broadcast %jit3A_301 : f32 to vector<1024x128xf32>
    %select_n3A_303 = arith.select %gt3A_299, %broadcast_in_dim3A_302, %select_n3A_297 : vector<1024x128xi1>, vector<1024x128xf32>
    %slice3A_304 = vector.extract_strided_slice %dot_general3A_213 {offsets = [0, 1920], sizes = [1024, 128], strides = [1, 1]} : vector<1024x2048xf32> to vector<1024x128xf32>
    %gt3A_305 = arith.cmpf ogt, %slice3A_304, %max3A_300 : vector<1024x128xf32>
    %max3A_306 = arith.maximumf %slice3A_304, %max3A_300 : vector<1024x128xf32>
    %jit3A_307 = arith.constant 4.700000e+01 : f32
    %broadcast_in_dim3A_308 = vector.broadcast %jit3A_307 : f32 to vector<1024x128xf32>
    %select_n3A_309 = arith.select %gt3A_305, %broadcast_in_dim3A_308, %select_n3A_303 : vector<1024x128xi1>, vector<1024x128xf32>
    %get3A_310 = arith.constant 0 : index
    %get3A_311 = arith.constant 6144 : index
    %get3A_312 = vector.load %arg4[%get3A_310, %get3A_311] : memref<64x8192xf32, #tpu.memory_space<vmem>>, vector<64x2048xf32>
    %dot_general3A_313 = arith.constant dense<0.000000e+00> : vector<1024x2048xf32>
    %dot_general3A_314 = tpu.matmul %div3A_7, %get3A_312, %dot_general3A_313 {dimension_numbers = #tpu.dot_dimension_numbers<[1], [0], [0], [1], [0, 0, 1, 1], [], []>, transpose_lhs_hint = false} : vector<1024x64xf32>, vector<64x2048xf32>, vector<1024x2048xf32> -> vector<1024x2048xf32>
    %slice3A_315 = vector.extract_strided_slice %dot_general3A_314 {offsets = [0, 0], sizes = [1024, 128], strides = [1, 1]} : vector<1024x2048xf32> to vector<1024x128xf32>
    %gt3A_316 = arith.cmpf ogt, %slice3A_315, %max3A_306 : vector<1024x128xf32>
    %max3A_317 = arith.maximumf %slice3A_315, %max3A_306 : vector<1024x128xf32>
    %jit3A_318 = arith.constant 4.800000e+01 : f32
    %broadcast_in_dim3A_319 = vector.broadcast %jit3A_318 : f32 to vector<1024x128xf32>
    %select_n3A_320 = arith.select %gt3A_316, %broadcast_in_dim3A_319, %select_n3A_309 : vector<1024x128xi1>, vector<1024x128xf32>
    %slice3A_321 = vector.extract_strided_slice %dot_general3A_314 {offsets = [0, 128], sizes = [1024, 128], strides = [1, 1]} : vector<1024x2048xf32> to vector<1024x128xf32>
    %gt3A_322 = arith.cmpf ogt, %slice3A_321, %max3A_317 : vector<1024x128xf32>
    %max3A_323 = arith.maximumf %slice3A_321, %max3A_317 : vector<1024x128xf32>
    %jit3A_324 = arith.constant 4.900000e+01 : f32
    %broadcast_in_dim3A_325 = vector.broadcast %jit3A_324 : f32 to vector<1024x128xf32>
    %select_n3A_326 = arith.select %gt3A_322, %broadcast_in_dim3A_325, %select_n3A_320 : vector<1024x128xi1>, vector<1024x128xf32>
    %slice3A_327 = vector.extract_strided_slice %dot_general3A_314 {offsets = [0, 256], sizes = [1024, 128], strides = [1, 1]} : vector<1024x2048xf32> to vector<1024x128xf32>
    %gt3A_328 = arith.cmpf ogt, %slice3A_327, %max3A_323 : vector<1024x128xf32>
    %max3A_329 = arith.maximumf %slice3A_327, %max3A_323 : vector<1024x128xf32>
    %jit3A_330 = arith.constant 5.000000e+01 : f32
    %broadcast_in_dim3A_331 = vector.broadcast %jit3A_330 : f32 to vector<1024x128xf32>
    %select_n3A_332 = arith.select %gt3A_328, %broadcast_in_dim3A_331, %select_n3A_326 : vector<1024x128xi1>, vector<1024x128xf32>
    %slice3A_333 = vector.extract_strided_slice %dot_general3A_314 {offsets = [0, 384], sizes = [1024, 128], strides = [1, 1]} : vector<1024x2048xf32> to vector<1024x128xf32>
    %gt3A_334 = arith.cmpf ogt, %slice3A_333, %max3A_329 : vector<1024x128xf32>
    %max3A_335 = arith.maximumf %slice3A_333, %max3A_329 : vector<1024x128xf32>
    %jit3A_336 = arith.constant 5.100000e+01 : f32
    %broadcast_in_dim3A_337 = vector.broadcast %jit3A_336 : f32 to vector<1024x128xf32>
    %select_n3A_338 = arith.select %gt3A_334, %broadcast_in_dim3A_337, %select_n3A_332 : vector<1024x128xi1>, vector<1024x128xf32>
    %slice3A_339 = vector.extract_strided_slice %dot_general3A_314 {offsets = [0, 512], sizes = [1024, 128], strides = [1, 1]} : vector<1024x2048xf32> to vector<1024x128xf32>
    %gt3A_340 = arith.cmpf ogt, %slice3A_339, %max3A_335 : vector<1024x128xf32>
    %max3A_341 = arith.maximumf %slice3A_339, %max3A_335 : vector<1024x128xf32>
    %jit3A_342 = arith.constant 5.200000e+01 : f32
    %broadcast_in_dim3A_343 = vector.broadcast %jit3A_342 : f32 to vector<1024x128xf32>
    %select_n3A_344 = arith.select %gt3A_340, %broadcast_in_dim3A_343, %select_n3A_338 : vector<1024x128xi1>, vector<1024x128xf32>
    %slice3A_345 = vector.extract_strided_slice %dot_general3A_314 {offsets = [0, 640], sizes = [1024, 128], strides = [1, 1]} : vector<1024x2048xf32> to vector<1024x128xf32>
    %gt3A_346 = arith.cmpf ogt, %slice3A_345, %max3A_341 : vector<1024x128xf32>
    %max3A_347 = arith.maximumf %slice3A_345, %max3A_341 : vector<1024x128xf32>
    %jit3A_348 = arith.constant 5.300000e+01 : f32
    %broadcast_in_dim3A_349 = vector.broadcast %jit3A_348 : f32 to vector<1024x128xf32>
    %select_n3A_350 = arith.select %gt3A_346, %broadcast_in_dim3A_349, %select_n3A_344 : vector<1024x128xi1>, vector<1024x128xf32>
    %slice3A_351 = vector.extract_strided_slice %dot_general3A_314 {offsets = [0, 768], sizes = [1024, 128], strides = [1, 1]} : vector<1024x2048xf32> to vector<1024x128xf32>
    %gt3A_352 = arith.cmpf ogt, %slice3A_351, %max3A_347 : vector<1024x128xf32>
    %max3A_353 = arith.maximumf %slice3A_351, %max3A_347 : vector<1024x128xf32>
    %jit3A_354 = arith.constant 5.400000e+01 : f32
    %broadcast_in_dim3A_355 = vector.broadcast %jit3A_354 : f32 to vector<1024x128xf32>
    %select_n3A_356 = arith.select %gt3A_352, %broadcast_in_dim3A_355, %select_n3A_350 : vector<1024x128xi1>, vector<1024x128xf32>
    %slice3A_357 = vector.extract_strided_slice %dot_general3A_314 {offsets = [0, 896], sizes = [1024, 128], strides = [1, 1]} : vector<1024x2048xf32> to vector<1024x128xf32>
    %gt3A_358 = arith.cmpf ogt, %slice3A_357, %max3A_353 : vector<1024x128xf32>
    %max3A_359 = arith.maximumf %slice3A_357, %max3A_353 : vector<1024x128xf32>
    %jit3A_360 = arith.constant 5.500000e+01 : f32
    %broadcast_in_dim3A_361 = vector.broadcast %jit3A_360 : f32 to vector<1024x128xf32>
    %select_n3A_362 = arith.select %gt3A_358, %broadcast_in_dim3A_361, %select_n3A_356 : vector<1024x128xi1>, vector<1024x128xf32>
    %slice3A_363 = vector.extract_strided_slice %dot_general3A_314 {offsets = [0, 1024], sizes = [1024, 128], strides = [1, 1]} : vector<1024x2048xf32> to vector<1024x128xf32>
    %gt3A_364 = arith.cmpf ogt, %slice3A_363, %max3A_359 : vector<1024x128xf32>
    %max3A_365 = arith.maximumf %slice3A_363, %max3A_359 : vector<1024x128xf32>
    %jit3A_366 = arith.constant 5.600000e+01 : f32
    %broadcast_in_dim3A_367 = vector.broadcast %jit3A_366 : f32 to vector<1024x128xf32>
    %select_n3A_368 = arith.select %gt3A_364, %broadcast_in_dim3A_367, %select_n3A_362 : vector<1024x128xi1>, vector<1024x128xf32>
    %slice3A_369 = vector.extract_strided_slice %dot_general3A_314 {offsets = [0, 1152], sizes = [1024, 128], strides = [1, 1]} : vector<1024x2048xf32> to vector<1024x128xf32>
    %gt3A_370 = arith.cmpf ogt, %slice3A_369, %max3A_365 : vector<1024x128xf32>
    %max3A_371 = arith.maximumf %slice3A_369, %max3A_365 : vector<1024x128xf32>
    %jit3A_372 = arith.constant 5.700000e+01 : f32
    %broadcast_in_dim3A_373 = vector.broadcast %jit3A_372 : f32 to vector<1024x128xf32>
    %select_n3A_374 = arith.select %gt3A_370, %broadcast_in_dim3A_373, %select_n3A_368 : vector<1024x128xi1>, vector<1024x128xf32>
    %slice3A_375 = vector.extract_strided_slice %dot_general3A_314 {offsets = [0, 1280], sizes = [1024, 128], strides = [1, 1]} : vector<1024x2048xf32> to vector<1024x128xf32>
    %gt3A_376 = arith.cmpf ogt, %slice3A_375, %max3A_371 : vector<1024x128xf32>
    %max3A_377 = arith.maximumf %slice3A_375, %max3A_371 : vector<1024x128xf32>
    %jit3A_378 = arith.constant 5.800000e+01 : f32
    %broadcast_in_dim3A_379 = vector.broadcast %jit3A_378 : f32 to vector<1024x128xf32>
    %select_n3A_380 = arith.select %gt3A_376, %broadcast_in_dim3A_379, %select_n3A_374 : vector<1024x128xi1>, vector<1024x128xf32>
    %slice3A_381 = vector.extract_strided_slice %dot_general3A_314 {offsets = [0, 1408], sizes = [1024, 128], strides = [1, 1]} : vector<1024x2048xf32> to vector<1024x128xf32>
    %gt3A_382 = arith.cmpf ogt, %slice3A_381, %max3A_377 : vector<1024x128xf32>
    %max3A_383 = arith.maximumf %slice3A_381, %max3A_377 : vector<1024x128xf32>
    %jit3A_384 = arith.constant 5.900000e+01 : f32
    %broadcast_in_dim3A_385 = vector.broadcast %jit3A_384 : f32 to vector<1024x128xf32>
    %select_n3A_386 = arith.select %gt3A_382, %broadcast_in_dim3A_385, %select_n3A_380 : vector<1024x128xi1>, vector<1024x128xf32>
    %slice3A_387 = vector.extract_strided_slice %dot_general3A_314 {offsets = [0, 1536], sizes = [1024, 128], strides = [1, 1]} : vector<1024x2048xf32> to vector<1024x128xf32>
    %gt3A_388 = arith.cmpf ogt, %slice3A_387, %max3A_383 : vector<1024x128xf32>
    %max3A_389 = arith.maximumf %slice3A_387, %max3A_383 : vector<1024x128xf32>
    %jit3A_390 = arith.constant 6.000000e+01 : f32
    %broadcast_in_dim3A_391 = vector.broadcast %jit3A_390 : f32 to vector<1024x128xf32>
    %select_n3A_392 = arith.select %gt3A_388, %broadcast_in_dim3A_391, %select_n3A_386 : vector<1024x128xi1>, vector<1024x128xf32>
    %slice3A_393 = vector.extract_strided_slice %dot_general3A_314 {offsets = [0, 1664], sizes = [1024, 128], strides = [1, 1]} : vector<1024x2048xf32> to vector<1024x128xf32>
    %gt3A_394 = arith.cmpf ogt, %slice3A_393, %max3A_389 : vector<1024x128xf32>
    %max3A_395 = arith.maximumf %slice3A_393, %max3A_389 : vector<1024x128xf32>
    %jit3A_396 = arith.constant 6.100000e+01 : f32
    %broadcast_in_dim3A_397 = vector.broadcast %jit3A_396 : f32 to vector<1024x128xf32>
    %select_n3A_398 = arith.select %gt3A_394, %broadcast_in_dim3A_397, %select_n3A_392 : vector<1024x128xi1>, vector<1024x128xf32>
    %slice3A_399 = vector.extract_strided_slice %dot_general3A_314 {offsets = [0, 1792], sizes = [1024, 128], strides = [1, 1]} : vector<1024x2048xf32> to vector<1024x128xf32>
    %gt3A_400 = arith.cmpf ogt, %slice3A_399, %max3A_395 : vector<1024x128xf32>
    %max3A_401 = arith.maximumf %slice3A_399, %max3A_395 : vector<1024x128xf32>
    %jit3A_402 = arith.constant 6.200000e+01 : f32
    %broadcast_in_dim3A_403 = vector.broadcast %jit3A_402 : f32 to vector<1024x128xf32>
    %select_n3A_404 = arith.select %gt3A_400, %broadcast_in_dim3A_403, %select_n3A_398 : vector<1024x128xi1>, vector<1024x128xf32>
    %slice3A_405 = vector.extract_strided_slice %dot_general3A_314 {offsets = [0, 1920], sizes = [1024, 128], strides = [1, 1]} : vector<1024x2048xf32> to vector<1024x128xf32>
    %gt3A_406 = arith.cmpf ogt, %slice3A_405, %max3A_401 : vector<1024x128xf32>
    %max3A_407 = arith.maximumf %slice3A_405, %max3A_401 : vector<1024x128xf32>
    %jit3A_408 = arith.constant 6.300000e+01 : f32
    %broadcast_in_dim3A_409 = vector.broadcast %jit3A_408 : f32 to vector<1024x128xf32>
    %select_n3A_410 = arith.select %gt3A_406, %broadcast_in_dim3A_409, %select_n3A_404 : vector<1024x128xi1>, vector<1024x128xf32>
    %reduce_max3A = arith.constant dense<0xFF800000> : vector<1024xf32>
    %reduce_max3A_411 = vector.multi_reduction <maximumf>, %max3A_407, %reduce_max3A [1] : vector<1024x128xf32> to vector<1024xf32>
    %broadcast_in_dim3A_412 = vector.shape_cast %reduce_max3A_411 : vector<1024xf32> to vector<1024x1xf32>
    %iota3A = tpu.iota {dimensions = array<i32: 1>} : vector<1024x128xi32>
    %convert_element_type3A_413 = arith.sitofp %iota3A : vector<1024x128xi32> to vector<1024x128xf32>
    %mul3A_414 = arith.constant 1.280000e+02 : f32
    %mul3A_415 = vector.broadcast %mul3A_414 : f32 to vector<1024x128xf32>
    %mul3A_416 = arith.mulf %select_n3A_410, %mul3A_415 : vector<1024x128xf32>
    %add3A = arith.addf %mul3A_416, %convert_element_type3A_413 : vector<1024x128xf32>
    %eq3A_417 = vector.broadcast %broadcast_in_dim3A_412 : vector<1024x1xf32> to vector<1024x128xf32>
    %eq3A_418 = arith.cmpf oeq, %max3A_407, %eq3A_417 : vector<1024x128xf32>
    %jit3A_419 = arith.constant 8.192000e+03 : f32
    %broadcast_in_dim3A_420 = vector.broadcast %jit3A_419 : f32 to vector<1024x128xf32>
    %select_n3A_421 = arith.select %eq3A_418, %add3A, %broadcast_in_dim3A_420 : vector<1024x128xi1>, vector<1024x128xf32>
    %reduce_min3A = arith.constant dense<0x7F800000> : vector<1024xf32>
    %reduce_min3A_422 = vector.multi_reduction <minimumf>, %select_n3A_421, %reduce_min3A [1] : vector<1024x128xf32> to vector<1024xf32>
    %broadcast_in_dim3A_423 = vector.shape_cast %reduce_min3A_422 : vector<1024xf32> to vector<1024x1xf32>
    %convert_element_type3A_424 = arith.fptosi %broadcast_in_dim3A_423 : vector<1024x1xf32> to vector<1024x1xi32>
    %reshape3A = vector.shape_cast %convert_element_type3A_424 : vector<1024x1xi32> to vector<8x128xi32>
    %swap3A = arith.constant 0 : index
    %swap3A_425 = arith.constant 0 : index
    %swap3A_426 = vector.load %arg3[%swap3A, %swap3A_425] : memref<8x128xi32, #tpu.memory_space<vmem>>, vector<8x128xi32>
    tpu.vector_store %arg3[%swap3A, %swap3A_425], %reshape3A {strides = array<i32>} : memref<8x128xi32, #tpu.memory_space<vmem>>, vector<8x128xi32>,
    return
  }
  func.func @transform_0(%arg0: i32) -> (i32, i32) {
    %c0_i32 = arith.constant 0 : i32
    %c0_i32_0 = arith.constant 0 : i32
    return %arg0, %c0_i32 : i32, i32
  }
  func.func @transform_1(%arg0: i32) -> (i32, i32) {
    %c0_i32 = arith.constant 0 : i32
    %c0_i32_0 = arith.constant 0 : i32
    %c0_i32_1 = arith.constant 0 : i32
    return %c0_i32, %c0_i32_0 : i32, i32
  }
  func.func @transform_2(%arg0: i32) -> (i32, i32) {
    %c0_i32 = arith.constant 0 : i32
    %c0_i32_0 = arith.constant 0 : i32
    return %arg0, %c0_i32 : i32, i32
  }
}

module attributes {stable_mosaic.version = 14 : i64} {
  func.func @_scalars_body(%arg0: memref<9216x64xf32, #tpu.memory_space<vmem>>, %arg1: memref<9216x64xf32, #tpu.memory_space<vmem>>, %arg2: memref<2048x128xf32, #tpu.memory_space<vmem>>, %arg3: memref<16x64x576xf32, #tpu.memory_space<vmem>>, %arg4: memref<1x1xf32, #tpu.memory_space<vmem>>, %arg5: memref<1x1xf32, #tpu.memory_space<vmem>>, %arg6: memref<1x1xf32, #tpu.memory_space<vmem>>) attributes {dimension_semantics = [], scalar_prefetch = 0 : i64, scratch_operands = 0 : i64, tpu.core_type = #tpu.core_type<tc>} {
    %get3A = arith.constant 0 : index
    %get3A_0 = arith.constant 0 : index
    %get3A_1 = vector.load %arg0[%get3A, %get3A_0] : memref<9216x64xf32, #tpu.memory_space<vmem>>, vector<9216x64xf32>
    %get3A_2 = arith.constant 0 : index
    %get3A_3 = arith.constant 0 : index
    %get3A_4 = vector.load %arg1[%get3A_2, %get3A_3] : memref<9216x64xf32, #tpu.memory_space<vmem>>, vector<9216x64xf32>
    %reshape3A = vector.shape_cast %get3A_4 : vector<9216x64xf32> to vector<16x576x64xf32>
    %transpose3A = tpu.transpose %reshape3A, [0, 2, 1] : vector<16x576x64xf32> -> vector<16x64x576xf32>
    %swap3A = arith.constant 0 : index
    %swap3A_5 = arith.constant 0 : index
    %swap3A_6 = arith.constant 0 : index
    %swap3A_7 = vector.load %arg3[%swap3A, %swap3A_5, %swap3A_6] : memref<16x64x576xf32, #tpu.memory_space<vmem>>, vector<16x64x576xf32>
    tpu.vector_store %arg3[%swap3A, %swap3A_5, %swap3A_6], %transpose3A {strides = array<i32>} : memref<16x64x576xf32, #tpu.memory_space<vmem>>, vector<16x64x576xf32>,
    %sub3A = arith.subf %get3A_1, %get3A_4 : vector<9216x64xf32>
    %integer_pow3A = arith.mulf %sub3A, %sub3A : vector<9216x64xf32>
    %reduce_sum3A = vector.shape_cast %integer_pow3A : vector<9216x64xf32> to vector<1x9216x64xf32>
    %reduce_sum3A_8 = arith.constant dense<0.000000e+00> : vector<1xf32>
    %reduce_sum3A_9 = vector.multi_reduction <add>, %reduce_sum3A, %reduce_sum3A_8 [1, 2] : vector<1x9216x64xf32> to vector<1xf32>
    %reduce_sum3A_10 = vector.shape_cast %reduce_sum3A_9 : vector<1xf32> to vector<1x1x1xf32>
    %reduce_sum3A_11 = vector.extract %reduce_sum3A_10[0, 0, 0] : f32 from vector<1x1x1xf32>
    %div3A = arith.constant 5.898240e+05 : f32
    %div3A_12 = arith.divf %reduce_sum3A_11, %div3A : f32
    %broadcast_in_dim3A = vector.broadcast %div3A_12 : f32 to vector<1x1xf32>
    %swap3A_13 = arith.constant 0 : index
    %swap3A_14 = arith.constant 0 : index
    %swap3A_15 = vector.load %arg4[%swap3A_13, %swap3A_14] : memref<1x1xf32, #tpu.memory_space<vmem>>, vector<1x1xf32>
    tpu.vector_store %arg4[%swap3A_13, %swap3A_14], %broadcast_in_dim3A {strides = array<i32>} : memref<1x1xf32, #tpu.memory_space<vmem>>, vector<1x1xf32>,
    %get3A_16 = arith.constant 0 : index
    %get3A_17 = arith.constant 0 : index
    %get3A_18 = vector.load %arg2[%get3A_16, %get3A_17] : memref<2048x128xf32, #tpu.memory_space<vmem>>, vector<1024x128xf32>
    %get3A_19 = arith.constant 1024 : index
    %get3A_20 = arith.constant 0 : index
    %get3A_21 = vector.load %arg2[%get3A_19, %get3A_20] : memref<2048x128xf32, #tpu.memory_space<vmem>>, vector<1024x128xf32>
    %add3A = arith.addf %get3A_18, %get3A_21 : vector<1024x128xf32>
    %div3A_22 = arith.constant 9.216000e+03 : f32
    %div3A_23 = vector.broadcast %div3A_22 : f32 to vector<1024x128xf32>
    %div3A_24 = arith.divf %add3A, %div3A_23 : vector<1024x128xf32>
    %add3A_25 = arith.constant 1.000000e-10 : f32
    %add3A_26 = vector.broadcast %add3A_25 : f32 to vector<1024x128xf32>
    %add3A_27 = arith.addf %div3A_24, %add3A_26 : vector<1024x128xf32>
    %log3A = math.log %add3A_27 : vector<1024x128xf32>
    %mul3A = arith.mulf %div3A_24, %log3A : vector<1024x128xf32>
    %reduce_sum3A_28 = vector.shape_cast %mul3A : vector<1024x128xf32> to vector<1x1024x128xf32>
    %reduce_sum3A_29 = arith.constant dense<0.000000e+00> : vector<1xf32>
    %reduce_sum3A_30 = vector.multi_reduction <add>, %reduce_sum3A_28, %reduce_sum3A_29 [1, 2] : vector<1x1024x128xf32> to vector<1xf32>
    %reduce_sum3A_31 = vector.shape_cast %reduce_sum3A_30 : vector<1xf32> to vector<1x1x1xf32>
    %reduce_sum3A_32 = vector.extract %reduce_sum3A_31[0, 0, 0] : f32 from vector<1x1x1xf32>
    %div3A_33 = arith.constant 1.600000e+01 : f32
    %div3A_34 = arith.divf %reduce_sum3A_32, %div3A_33 : f32
    %neg3A = arith.constant 0.000000e+00 : f32
    %neg3A_35 = arith.subf %neg3A, %div3A_34 : f32
    %exp3A = math.exp %neg3A_35 : f32
    %broadcast_in_dim3A_36 = vector.broadcast %exp3A : f32 to vector<1x1xf32>
    %swap3A_37 = arith.constant 0 : index
    %swap3A_38 = arith.constant 0 : index
    %swap3A_39 = vector.load %arg5[%swap3A_37, %swap3A_38] : memref<1x1xf32, #tpu.memory_space<vmem>>, vector<1x1xf32>
    tpu.vector_store %arg5[%swap3A_37, %swap3A_38], %broadcast_in_dim3A_36 {strides = array<i32>} : memref<1x1xf32, #tpu.memory_space<vmem>>, vector<1x1xf32>,
    %gt3A = arith.constant 0.000000e+00 : f32
    %gt3A_40 = vector.broadcast %gt3A : f32 to vector<1024x128xf32>
    %gt3A_41 = arith.cmpf ogt, %add3A, %gt3A_40 : vector<1024x128xf32>
    %convert_element_type3A = arith.extui %gt3A_41 : vector<1024x128xi1> to vector<1024x128xi32>
    %convert_element_type3A_42 = arith.sitofp %convert_element_type3A : vector<1024x128xi32> to vector<1024x128xf32>
    %reduce_sum3A_43 = vector.shape_cast %convert_element_type3A_42 : vector<1024x128xf32> to vector<1x1024x128xf32>
    %reduce_sum3A_44 = arith.constant dense<0.000000e+00> : vector<1xf32>
    %reduce_sum3A_45 = vector.multi_reduction <add>, %reduce_sum3A_43, %reduce_sum3A_44 [1, 2] : vector<1x1024x128xf32> to vector<1xf32>
    %reduce_sum3A_46 = vector.shape_cast %reduce_sum3A_45 : vector<1xf32> to vector<1x1x1xf32>
    %reduce_sum3A_47 = vector.extract %reduce_sum3A_46[0, 0, 0] : f32 from vector<1x1x1xf32>
    %div3A_48 = arith.constant 1.310720e+05 : f32
    %div3A_49 = arith.divf %reduce_sum3A_47, %div3A_48 : f32
    %broadcast_in_dim3A_50 = vector.broadcast %div3A_49 : f32 to vector<1x1xf32>
    %swap3A_51 = arith.constant 0 : index
    %swap3A_52 = arith.constant 0 : index
    %swap3A_53 = vector.load %arg6[%swap3A_51, %swap3A_52] : memref<1x1xf32, #tpu.memory_space<vmem>>, vector<1x1xf32>
    tpu.vector_store %arg6[%swap3A_51, %swap3A_52], %broadcast_in_dim3A_50 {strides = array<i32>} : memref<1x1xf32, #tpu.memory_space<vmem>>, vector<1x1xf32>,
    return
  }
}

</mosaic_0001>

<sc_bundles>
// kernel: kernel.5.cloned.1.call-start
scs
__scs_entry_jumppad:
0x0: {  	(pc) =	sbr.rel $0x88, $3  }
0x1: {  	(tag) =	ssettag $0x0;
	lr =	simm.s32 $0x1  }
0x2: {  	[smem:$0x3F9F] =	sst lr;
	_ =	strace $0xD0000000  }
0x3: {  	_ = 	snop  }
0x4: {  	_ = 	snop  }
0x5: {  	_ = 	snop  }
0x6: {  	_ = 	snop  }
0x7: {  	_ = 	snop  }
__scs_overlays_trampoline_lowered:
0x8: {  	[smem:$0x3FAE] =	sst s0  }
0x9: {  	[smem:$0x3FAF] =	sst s1  }
0xa: {  	[smem:$0x3FB0] =	sst s2  }
0xb: {  	[smem:$0x3FB1] =	sst s3  }
0xc: {  	[smem:$0x3FB2] =	sst s4  }
0xd: {  	[smem:$0x3FB3] =	sst s5  }
0xe: {  	[smem:$0x3FB4] =	sst s6  }
0xf: {  	[smem:$0x3FB5] =	sst s7  }
0x10: {  	[smem:$0x3FB6] =	sst s8  }
0x11: {  	[smem:$0x3FB7] =	sst s9;
	s0 =	simm.s32 @!p0 $0x0  }
0x12: {  	s1 =	sld [smem:$0x3F9D];
	s0 =	simm.s32 @p0 $0x1  }
0x13: {  	[smem:$0x3FB8] =	sst s0;
	s0 =	simm.s32 @!p1 $0x0  }
0x14: {  	s2 =	sld [smem:$0x3F9C];
	s0 =	simm.s32 @p1 $0x1  }
0x15: {  	[smem:$0x3FB9] =	sst s0;
	s0 =	simm.s32 @!p2 $0x0  }
0x16: {  	s3 =	sld [smem:$0x3FDB];
	s0 =	simm.s32 @p2 $0x1  }
0x17: {  	s4 =	simm.s32 $0x1BF5;
	[smem:$0x3FBB] =	sst s0  }
0x18: {  	s0 =	sld [smem:$0x3F9E];
	_ =	swait.ge [sflag:s4], $0x0  }
0x19: {  	s7 =	sld [smem:$0x3F9F]  }
0x1a: {  	s8 =	sadd.s32 $0xFFFFE003, lr  }
0x1b: {  	s9 =	sadd.s32 $0xFFFFFEF7, lr;
	s5 =	simm.s32 $0xFFFFFFFF;
	p2 =	slt.u32 s8, $0xFFFFF086  }
0x1c: {  	p1 =	slt.u32 s9, $0xF7A;
	s5 =	simm.s32 @!p2 $0x0  }
0x1d: {  	s5 =	simm.s32 @p1 $0x1;
	p0 =	seq.s32 s7, s2  }
0x1e: {  	s7 =	smul.u32 @!p0 $0xF7A, s2;
	p2 =	seq.s32 @!p0 s5, $0x0  }
0x1f: {  	s9 =	smul.u32 $0xF7A, s1;
	s8 =	simm.s32 @!p0 $0x1BF5;
	p2 =	por !p2, p0  }
0x20: {  	[sflag:s8] =	ssyncset.s32 @!p0 $0xFFFFF086;
	s6 =	sadd.s32 @!p0 s3, s7;
	s7 =	simm.s32 @!p0 $0x108  }
0x21: {  	s3 =	sadd.s32 s3, s9;
	s6 =	sadd.s32 @!p0 $0x88, s6;
	s7 =	simm.s32 @p2 $0x1082  }
0x22: {  	[simem:s7], [sflag:s8] =	dma.local @!p0 [hbm:s6], $0xF7A  }
0x23: {  	s9 =	sor.u32 $0xD0000000, s2;
	s6 =	simm.s32 $0x108;
	_ =	swait.ge @!p0 [sflag:s8], $0x0  }
0x24: {  	s3 =	sadd.s32 $0x88, s3;
	s6 =	simm.s32 @!p1 $0x1082;
	[sflag:s4] =	ssyncset.s32 $0xFFFFF086  }
0x25: {  	[simem:s6], [sflag:s4] =	dma.local [hbm:s3], $0xF7A  }
0x26: {  	[smem:$0x3F9F] =	sst s1;
	(tag) =	ssettag s2;
	_ =	strace s9  }
0x27: {  	s1 =	sld [smem:$0x3FAF]  }
0x28: {  	s2 =	sld [smem:$0x3FB0]  }
0x29: {  	s4 =	sld [smem:$0x3FB2]  }
0x2a: {  	p0 =	seq.s32 s5, $0x0;
	s5 =	sld [smem:$0x3FB3]  }
0x2b: {  	s6 =	sld [smem:$0x3FB4]  }
0x2c: {  	s7 =	sld [smem:$0x3FB5]  }
0x2d: {  	s3 =	simm.s32 $0x108;
	s8 =	sld [smem:$0x3FB6]  }
0x2e: {  	s3 =	simm.s32 @!p0 $0x1082;
	s9 =	sld [smem:$0x3FB7]  }
0x2f: {  	lr =	sadd.s32 s0, s3;
	s0 =	sld [smem:$0x3FAE]  }
0x30: {  	s3 =	sld [smem:$0x3FB1]  }
0x31: {  	[smem:$0x3FBA] =	sst s10  }
0x32: {  	s10 =	sld [smem:$0x3FB8];
	_ =	sdelay $0x3  }
0x33: {  	p0 =	seq.s32 s10, $0x1;
	s10 =	sld [smem:$0x3FBA];
	_ =	sdelay $0x3  }
0x34: {  	[smem:$0x3FBA] =	sst s10  }
0x35: {  	s10 =	sld [smem:$0x3FB9];
	_ =	sdelay $0x3  }
0x36: {  	p1 =	seq.s32 s10, $0x1;
	s10 =	sld [smem:$0x3FBA];
	_ =	sdelay $0x3  }
0x37: {  	[smem:$0x3FBA] =	sst s10  }
0x38: {  	s10 =	sld [smem:$0x3FBB]  }
0x39: {  	_ = 	snop;
	(pc) =	sbr.ind lr, $3  }
0x3a: {  	_ = 	snop  }
0x3b: {  	_ = 	snop  }
0x3c: {  	p2 =	seq.s32 s10, $0x1;
	s10 =	sld [smem:$0x3FBA]  }
0x3d: {  	_ =	shalt  }
0x3e: {  	_ =	shalt  }
0x3f: {  	_ =	shalt  }
0x40: {  	_ =	shalt  }
0x41: {  	_ =	shalt  }
0x42: {  	_ =	shalt  }
0x43: {  	_ =	shalt  }
0x44: {  	_ =	shalt  }
0x45: {  	_ =	shalt  }
0x46: {  	_ =	shalt  }
0x47: {  	_ =	shalt  }
0x48: {  	_ =	shalt  }
0x49: {  	_ =	shalt  }
0x4a: {  	_ =	shalt  }
0x4b: {  	_ =	shalt  }
0x4c: {  	_ =	shalt  }
0x4d: {  	_ =	shalt  }
0x4e: {  	_ =	shalt  }
0x4f: {  	_ =	shalt  }
0x50: {  	_ =	shalt  }
0x51: {  	_ =	shalt  }
0x52: {  	_ =	shalt  }
0x53: {  	_ =	shalt  }
0x54: {  	_ =	shalt  }
0x55: {  	_ =	shalt  }
0x56: {  	_ =	shalt  }
0x57: {  	_ =	shalt  }
0x58: {  	_ =	shalt  }
0x59: {  	_ =	shalt  }
0x5a: {  	_ =	shalt  }
0x5b: {  	_ =	shalt  }
0x5c: {  	_ =	shalt  }
0x5d: {  	_ =	shalt  }
0x5e: {  	_ =	shalt  }
0x5f: {  	_ =	shalt  }
0x60: {  	_ =	shalt  }
0x61: {  	_ =	shalt  }
0x62: {  	_ =	shalt  }
0x63: {  	_ =	shalt  }
0x64: {  	_ =	shalt  }
0x65: {  	_ =	shalt  }
0x66: {  	_ =	shalt  }
0x67: {  	_ =	shalt  }
0x68: {  	_ =	shalt  }
0x69: {  	_ =	shalt  }
0x6a: {  	_ =	shalt  }
0x6b: {  	_ =	shalt  }
0x6c: {  	_ =	shalt  }
0x6d: {  	_ =	shalt  }
0x6e: {  	_ =	shalt  }
0x6f: {  	_ =	shalt  }
0x70: {  	_ =	shalt  }
0x71: {  	_ =	shalt  }
0x72: {  	_ =	shalt  }
0x73: {  	_ =	shalt  }
0x74: {  	_ =	shalt  }
0x75: {  	_ =	shalt  }
0x76: {  	_ =	shalt  }
0x77: {  	_ =	shalt  }
0x78: {  	_ =	shalt  }
0x79: {  	_ =	shalt  }
0x7a: {  	_ =	shalt  }
0x7b: {  	_ =	shalt  }
0x7c: {  	_ =	shalt  }
0x7d: {  	_ =	shalt  }
0x7e: {  	_ =	shalt  }
0x7f: {  	_ =	shalt  }
0x80: {  	_ =	shalt  }
0x81: {  	_ =	shalt  }
0x82: {  	_ =	shalt  }
0x83: {  	_ =	shalt  }
0x84: {  	_ =	shalt  }
0x85: {  	_ =	shalt  }
0x86: {  	_ =	shalt  }
0x87: {  	_ =	shalt  }
.Lfunc_end0:
.L_simem_size_0:
called_computation_lowered:
.L_overlay_start_0:
0x88: {  	s2 =	sld [smem:$0x3FD9]  }
0x89: {  	s3 =	sld [smem:$0x3FFE];
	_ =	sdelay $0x1  }
0x8a: {  	s1 =	srdreg.scid  }
0x8b: {  	s0 =	sand.u32 $0x1, s1  }
0x8c: {  	s14 =	sshll.u32 s0, $0xA;
	s2 =	sadd.s32 s3, s2  }
0x8d: {  	s2 =	sadd.s32 s2, s14  }
0x8e: {  	[smem:$0x3FC6] =	sst s2  }
0x8f: {  	_ = 	snop  }
0x90: {  	s2 =	sld [smem:$0x3FD0];
	_ =	sdelay $0x2  }
0x91: {  	s15 =	simm.s32 $0xA;
	s4 =	simm.s32 $0x10  }
0x92: {  	[smem:s4], [sflag:s15] =	dma.local [hbm:s2], $0x1  }
0x93: {  	_ =	swait.eq [sflag:s15], $0x1  }
0x94: {  	[sflag:s15] =	ssyncset.done $0x0  }
0x95: {  	[sflag:s15] =	ssyncadd.s32 $0xFFFFFFFF  }
0x96: {  	s16 =	sld [smem:$0x10];
	(tm) =	ssettm $0x1  }
0x97: {  	s17 =	sld [smem:$0x3FFB];
	_ =	sdelay $0x3  }
0x98: {  	_ =	strace s17  }
0x99: {  	s3 =	sld [smem:$0x3FFC];
	_ =	sdelay $0x3  }
0x9a: {  	_ =	strace s3  }
0x9b: {  	s3 =	sld [smem:$0x3FFD];
	_ =	sdelay $0x3  }
0x9c: {  	_ =	strace s3  }
0x9d: {  	_ =	strace $0x8FFFFFFF  }
0x9e: {  	s18 =	sld [smem:$0x3FDB];
	_ =	sdelay $0x1  }
0x9f: {  	s19 =	simm.s32 $_scs_section_size  }
0xa0: {  	s5 =	simm.s32 $_size__tile_overlayer_lowered;
	s6 =	simm.s32 $_tile_overlayer_lowered  }
0xa1: {  	s22 =	simm.s32 $0x1BFF;
	s21 =	sshll.u32 s6, $0x1;
	s3 =	sadd.s32 s19, s18  }
0xa2: {  	s7 =	simm.s32 $0x0;
	s20 =	sshll.u32 s5, $0x1;
	s5 =	sadd.s32 s21, s3  }
0xa3: {  	[timem:s7], [sflag:s22] =	dma.local [hbm:s5], s20  }
0xa4: {  	_ =	swait.ge [sflag:s22], s20  }
0xa5: {  	s4 =	ssub.s32 $0x0, s20;
	[sflag:s22] =	ssyncset.done $0x0  }
0xa6: {  	[sflag:s22] =	ssyncadd.s32 s4;
	_ =	sdelay $0x1  }
0xa7: {  	s23 =	simm.s32 $0x1B8B  }
0xa8: {  	_ =	swait.ge [sflag:s23], $0x1  }
0xa9: {  	[sflag:s23] =	ssyncset.done $0x0  }
0xaa: {  	s25 =	simm.s32 $0x1B8E;
	s24 =	sld [smem:$0x3FFE];
	[sflag:s23] =	ssyncadd.s32 $0xFFFFFFFF  }
0xab: {  	s26 =	simm.s32 $execute0_lowered;
	[smem:$0x3FD2] =	sst s25  }
0xac: {  	s5 =	sshll.u32 s26, $0x1;
	_ =	strace $0x80000046;
	[dreg:$0x1] =	wrdreg $0xFFFFFFFF  }
0xad: {  	s28 =	simm.s32 $_size_execute0_lowered;
	s3 =	sadd.s32 s3, s5;
	[dreg:$0x0] =	wrdreg $0x0  }
0xae: {  	s5 =	sshll.u32 s28, $0x1;
	[dreg:$0x2] =	wrdreg s3  }
0xaf: {  	[dreg:$0x3] =	wrdreg s5  }
0xb0: {  	[dreg:$0x4] =	wrdreg $0xC0  }
0xb1: {  	_ =	task [dreg:s7], $0x5FFFF  }
0xb2: {  	[dreg:$0x1] =	wrdreg $0xFFFFFFFF  }
0xb3: {  	[dreg:$0x0] =	wrdreg $0x60  }
0xb4: {  	[dreg:$0x2] =	wrdreg s24  }
0xb5: {  	[dreg:$0x3] =	wrdreg s16  }
0xb6: {  	[dreg:$0x4] =	wrdreg $0x6F200  }
0xb7: {  	[dreg:$0x5] =	wrdreg $0x9  }
0xb8: {  	_ =	task.clear_ibuf [dreg:s7], $0x6FFFF;
	_ =	strace $0x90000046  }
0xb9: {  	s29 =	simm.s32 $0x9;
	_ =	strace $0x80000048  }
0xba: {  	_ =	swait.ge [sflag:s29], $0x1  }
0xbb: {  	[sflag:s29] =	ssyncadd.s32 $0xFFFFFFFF  }
0xbc: {  	_ =	strace $0x90000048  }
0xbd: {  	_ =	sfence  }
0xbe: {  	s30 =	sld [smem:$0x0];
	_ =	sdelay $0x2  }
0xbf: {  	s31 =	sshll.u32 s1, $0xD;
	s1 =	sshrl.u32 s1, $0x2  }
0xc0: {  	s3 =	sand.u32 $0x4000, s31;
	s1 =	sadd.s32 s1, s30  }
0xc1: {  	s0 =	sor.u32 s3, s0;
	s1 =	sshll.u32 s1, $0x11  }
0xc2: {  	s0 =	sor.u32 s1, s0  }
0xc3: {  	s0 =	sadd.s32 $0x8F2B, s0  }
0xc4: {  	[sflag:s0] =	ssyncadd.remote.s32 $0x1  }
0xc5: {  	_ =	sfence.sel $0xFFFF  }
0xc6: {  	[dreg:$0x0] =	wrdreg $0xFFFFFFFF;
	(pc) =	sbr.abs _section_cstart, $3  }
0xc7: {  	[dreg:$0x1] =	wrdreg $0xFFFFFFFF  }
0xc8: {  	_ =	task.clear_ibuf [dreg:s7], $0x2FFFF;
	_ =	strace $0x9FFFFFFF  }
0xc9: {  	(tm) =	ssettm $0x7FFFFFFF  }
tec
execute0_lowered:
.L_overlay_start_1:
0x0: {  	(tag) =	ssettag $0x1  }
0x1: {  	s5 =	rddreg [dreg:$0x0]  }
0x2: {  	s7 =	rddreg [dreg:$0x1]  }
0x3: {  	s1 =	rddreg [dreg:$0x2]  }
0x4: {  	s0 =	rddreg [dreg:$0x3];
	s3 =	simm.s32 $0x0;
	s6 =	srdreg.scid  }
0x5: {  	s2 =	stileid.u32;
	s13 =	simm.s32 $0x120;
	s14 =	simm.s32 $0x1  }
0x6: {  	s15 =	simm.s32 $0x1920;
	s16 =	simm.s32 $0xC0;
	s17 =	simm.s32 $0x3120  }
0x7: {  	s18 =	simm.s32 $0x4920;
	s19 =	simm.s32 $0x0;
	[smem:$0x7FF] =	sst s3  }
0x8: {  	s4 =	sadd.s32 $0x1200, s5;
	s6 =	sand.u32 $0x1, s6;
	s8 =	sshll.u32 s2, $0x1  }
0x9: {  	s9 =	sshll.u32 s2, $0xD;
	_ =	strace $0x80000047;
	s8 =	sor.u32 s6, s8  }
0xa: {  	s10 =	sshll.u32 s6, $0x11;
	s6 =	ssub.s32 $0x2, s6;
	s11 =	smul.u32 $0x24, s8  }
0xb: {  	s10 =	sor.u32 s9, s10;
	s12 =	sshrl.u32 s6, $0x1;
	s8 =	smul.u32 $0x900, s8  }
0xc: {  	s10 =	sshrl.u32 s10, $0x3;
	s12 =	ssub.s32 s6, s12;
	s6 =	sadd.s32 s9, s1  }
0xd: {  	s11 =	sadd.s32 s11, s5;
	s10 =	sadd.s32 s10, s5;
	s7 =	sadd.s32 s7, s8  }
0xe: {  	s9 =	smax.u32 s12, $0x1;
	s12 =	simm.s32 $0x60;
	s5 =	sadd.s32 $0x11200, s11  }
0xf: {  	v0 =	vimm.f32 $1.000000000e+00;
	v1 =	vimm.f32 $0.0e+00;
	s8 =	sadd.s32 $0x11800, s10;
	s10 =	simm.s32 $0x2;
	s11 =	simm.s32 $0x4F20  }
.LBB2_1:
0x10: {  	[tilespmem:s3], [sflag:$0x2] =	stream.linear.gather [hbm4b:s5+s3], $0x120, $0x38;
	[tilespmem:$0x8F20] =	vst v63  }
0x11: {  	_ =	swait.ge [sflag:s10], $0x120  }
0x12: {  	[sflag:s10] =	ssyncset.done $0x0  }
0x13: {  	s20 =	simm.s32 $0x0;
	[sflag:s10] =	ssyncadd.s32 $0xFFFFFEE0  }
.LBB2_2:
0x14: {  	p0 =	sne.s32 s20, $0x17C0  }
.Ltmp0:
0x15: {  	_ = 	snop;
	(pc) =	sbr.rel @p0 .LBB2_2-.Ltmp0, $3  }
0x16: {  	_ =	sdelay $0x1  }
0x17: {  	s21 =	sshra.s32 s20, $0x2  }
0x18: {  	s20 =	sadd.s32 $0x40, s20;
	[tilespmem:s21+$0x4920] =	vst v0  }
0x19: {  	s20 =	simm.s32 $0x40;
	s21 =	simm.s32 $0x0  }
.LBB2_4:
0x1a: {  	p0 =	sne.s32 s20, $0x7FC0;
	[tilespmem:s21+$0x4F20] =	vst v1;
	s21 =	smov.u32 s20;
	s20 =	sadd.s32 $0x40, s20  }
.Ltmp1:
0x1b: {  	(pc) =	sbr.rel @p0 .LBB2_4-.Ltmp1, $2  }
0x1c: {  	_ =	sdelay $0x2  }
0x1d: {  	s21 =	sshra.s32 s21, $0x2  }
0x1e: {  	[tilespmem:s21+$0x4F20] =	vst v1  }
0x1f: {  	[spmem:s6] =	stream.linear.scatter [tilespmem:s11], [sflag:$0x2], $0x2000, $0x38;
	[tilespmem:$0x8F20] =	vst v63  }
0x20: {  	_ =	swait.ge [sflag:s10], $0x2000  }
0x21: {  	[sflag:s10] =	ssyncset.done $0x0  }
0x22: {  	[sflag:s10] =	ssyncadd.s32 $0xFFFFE000  }
0x23: {  	[tilespmem:s13], [sflag:$0x1] =	stream.indirect.gather [hbm4b:s4+s12], $0x40, s3, s12, $0xb8;
	[tilespmem:$0x8F20] =	vst v63  }
0x24: {  	_ =	swait.ge [sflag:s14], $0x1800  }
0x25: {  	[sflag:s14] =	ssyncset.done $0x0  }
0x26: {  	[sflag:s14] =	ssyncadd.s32 $0xFFFFE800  }
0x27: {  	[tilespmem:s15], [sflag:$0x1] =	stream.indirect.gather [hbm4b:s4+s12], $0x40, s12, s12, $0xb8;
	[tilespmem:$0x8F20] =	vst v63  }
0x28: {  	_ =	swait.ge [sflag:s14], $0x1800  }
0x29: {  	[sflag:s14] =	ssyncset.done $0x0  }
0x2a: {  	[sflag:s14] =	ssyncadd.s32 $0xFFFFE800  }
0x2b: {  	[tilespmem:s17], [sflag:$0x1] =	stream.indirect.gather [hbm4b:s4+s12], $0x40, s16, s12, $0xb8;
	[tilespmem:$0x8F20] =	vst v63  }
0x2c: {  	_ =	swait.ge [sflag:s14], $0x1800  }
0x2d: {  	[sflag:s14] =	ssyncset.done $0x0  }
0x2e: {  	[sflag:s14] =	ssyncadd.s32 $0xFFFFE800  }
0x2f: {  	[hbm4b:s7+s3] =	stream.linear.scatter [tilespmem:s13], [sflag:$0x2], $0x4800, $0x38;
	[tilespmem:$0x8F20] =	vst v63  }
0x30: {  	_ =	swait.ge [sflag:s10], $0x4800  }
0x31: {  	[sflag:s10] =	ssyncset.done $0x0  }
0x32: {  	[sflag:s10] =	ssyncadd.s32 $0xFFFFB800  }
0x33: {  	[bflag:$0x0] =	sbarrier.arrive $0xFFFF  }
0x34: {  	[spmem:s1] =	stream.indirect.scatter.add.f32 [tilespmem:s18], [sflag:$0x2], $0x10, s3, s12, $0xb8;
	[tilespmem:$0x8F20] =	vst v63  }
0x35: {  	_ =	swait.ge [sflag:s10], $0x600  }
0x36: {  	[sflag:s10] =	ssyncset.done $0x0  }
0x37: {  	[sflag:s10] =	ssyncadd.s32 $0xFFFFFA00  }
0x38: {  	[spmem:s1] =	stream.indirect.scatter.add.f32 [tilespmem:s18], [sflag:$0x2], $0x10, s12, s12, $0xb8;
	[tilespmem:$0x8F20] =	vst v63  }
0x39: {  	_ =	swait.ge [sflag:s10], $0x600  }
0x3a: {  	[sflag:s10] =	ssyncset.done $0x0  }
0x3b: {  	[sflag:s10] =	ssyncadd.s32 $0xFFFFFA00  }
0x3c: {  	[spmem:s1] =	stream.indirect.scatter.add.f32 [tilespmem:s18], [sflag:$0x2], $0x10, s16, s12, $0xb8;
	[tilespmem:$0x8F20] =	vst v63  }
0x3d: {  	_ =	swait.ge [sflag:s10], $0x600  }
0x3e: {  	[sflag:s10] =	ssyncset.done $0x0  }
0x3f: {  	[sflag:s10] =	ssyncadd.s32 $0xFFFFFA00  }
0x40: {  	[bflag:$0x0] =	sbarrier.arrive $0xFFFF  }
0x41: {  	[tilespmem:s11], [sflag:$0x2] =	stream.linear.gather [spmem:s6], $0x2000, $0x38;
	[tilespmem:$0x8F20] =	vst v63  }
0x42: {  	s19 =	sadd.s32 $0x1, s19;
	_ =	swait.ge [sflag:s10], $0x2000  }
0x43: {  	p0 =	sne.s32 s19, s9;
	[sflag:s10] =	ssyncset.done $0x0  }
.Ltmp2:
0x44: {  	[sflag:s10] =	ssyncadd.s32 $0xFFFFE000;
	(pc) =	sbr.rel @p0 .LBB2_1-.Ltmp2, $4  }
0x45: {  	[hbm4b:s8+s3] =	stream.linear.scatter [tilespmem:s11], [sflag:$0x2], $0x2000, $0x38;
	[tilespmem:$0x8F20] =	vst v63  }
0x46: {  	_ =	swait.ge [sflag:s10], $0x2000  }
0x47: {  	[sflag:s10] =	ssyncset.done $0x0  }
0x48: {  	[sflag:s10] =	ssyncadd.s32 $0xFFFFE000  }
0x49: {  	_ =	sfence.sel $0x180000  }
0x4a: {  	[bflag:$0x0] =	sbarrier.arrive $0xFFFF  }
0x4b: {  	p0 =	sne.s32 s2, $0x0;
	_ =	strace $0x90000047  }
0x4c: {  	s0 =	sadd.s32 @!p0 $0x100000, s0;
	[bflag:$0x2] =	sbarrier.arrive $0xFFFF  }
0x4d: {  	[sflag:s0] =	ssyncadd.tile.s32 @!p0 $0x1;
	_ =	shalt  }
.Lfunc_end2:
_tile_overlayer_lowered:
.L_overlay_start_2:
0x4e: {  	(tag) =	ssettag $0x2  }
0x4f: {  	s0 =	rddreg [dreg:$0x0];
	s2 =	stileid.u32  }
0x50: {  	s1 =	rddreg [dreg:$0x1];
	p0 =	sne.s32 s2, $0x0  }
0x51: {  	s3 =	rddreg [dreg:$0x2];
	[bflag:$0x3] =	sbarrier.arrive $0xFFFF;
	s2 =	simm.s32 @!p0 $0x1C02  }
0x52: {  	[timem:s3], [sflag:s2] =	dma.local @!p0 [hbm:s0], s1  }
0x53: {  	s0 =	simm.s32 @!p0 $0x2  }
0x54: {  	_ =	swait.ge @!p0 [sflag:s0], s1  }
0x55: {  	s1 =	ssub.s32 @!p0 $0x0, s1;
	[sflag:s0] =	ssyncset.done @!p0 $0x0  }
0x56: {  	[sflag:s0] =	ssyncadd.s32 @!p0 s1  }
0x57: {  	[bflag:$0x3] =	sbarrier.arrive $0xFFFF  }
0x58: {  	_ =	shalt  }

</sc_bundles>
